<compile_context>
chip_gen: v7x
topology: tpu7x:2x2x1
jax: 0.10.2.dev20260603
libtpu: 0.0.44.dev20260713+nightly
codegen_flags: <defaults>
</compile_context>

<pallas_src>
import functools

import jax
import jax.numpy as jnp
import numpy as np
from jax import lax
from jax.experimental import pallas as pl
from jax.experimental.pallas import tpu as pltpu
from jax.experimental.pallas import tpu_sc as plsc

N_LOW, N_UP, N_HIGH = 10000, 50000, 100000
NVARS = 5
EPS = 1e-5
CH = 256
NWORK = 32
BLK = 2000
_SQ = np.float32(1.0 / np.sqrt(1.0 + EPS))



def _mm_multi(xb, W, b):
    NBi, n, _ = xb.shape
    NBo = W.shape[1] // 16

    def body(x_ref, w_ref, b_ref, *o_refs):
        for j in range(NBo):
            acc = jnp.broadcast_to(b_ref[pl.ds(16 * j, 16)].reshape(1, 16), (BLK, 16))
            for k in range(NBi):
                acc = acc + jnp.dot(x_ref[k], w_ref[pl.ds(16 * k, 16), pl.ds(16 * j, 16)],
                                    preferred_element_type=jnp.float32)
            o_refs[j][...] = acc

    return pl.pallas_call(
        body, grid=(n // BLK,),
        in_specs=[pl.BlockSpec((NBi, BLK, 16), lambda i: (0, i, 0)),
                  pl.BlockSpec(W.shape, lambda i: (0, 0)),
                  pl.BlockSpec(b.shape, lambda i: (0,))],
        out_specs=[pl.BlockSpec((BLK, 16), lambda i: (i, 0)) for _ in range(NBo)],
        out_shape=[jax.ShapeDtypeStruct((n + 16, 16), jnp.float32) for _ in range(NBo)],
    )(xb, W, b)


def _post_kernel(acc16, accm, biasb, gb, betab, h, o, relu):
    NB = accm.shape[1]
    n = acc16.shape[1]

    def body(a_ref, m_ref, b_ref, g_ref, bt_ref, o_ref):
        a = a_ref[0] + a_ref[1]
        invc = 1.0 / jnp.maximum(a[:, h:h + 1], 1.0)
        f0 = invc / (a[:, 0:1] + 1e-16)
        if h == 2:
            f1 = invc / (a[:, 1:2] + 1e-16)
            head = (pl.program_id(0) * 16) // o
            f = jnp.where(head == 0, f0, f1)
        else:
            f = f0
        r = (m_ref[0, 0] + m_ref[1, 0]) * f + b_ref[0]
        r = r * g_ref[0] + bt_ref[0]
        if relu:
            r = jnp.maximum(r, 0.0)
        o_ref[0] = r

    return pl.pallas_call(
        body, grid=(NB, n // BLK),
        in_specs=[pl.BlockSpec((2, BLK, 16), lambda j, i: (0, i, 0)),
                  pl.BlockSpec((2, 1, BLK, 16), lambda j, i: (0, j, i, 0)),
                  pl.BlockSpec((1, 1, 16), lambda j, i: (j, 0, 0)),
                  pl.BlockSpec((1, 1, 16), lambda j, i: (j, 0, 0)),
                  pl.BlockSpec((1, 1, 16), lambda j, i: (j, 0, 0))],
        out_specs=pl.BlockSpec((1, BLK, 16), lambda j, i: (j, i, 0)),
        out_shape=jax.ShapeDtypeStruct((NB, n, 16), jnp.float32),
    )(acc16, accm, biasb[:, None, :], gb[:, None, :], betab[:, None, :])


def _cnn_kernel(xb, Ms, bs, Ps):
    n = xb.shape[1]

    def body(x_ref, m0, m1, m2, b0, b1, b2, p0, p1, p2, p3, o_ref):
        hs = [x_ref[k] for k in range(5)]
        for m_ref, b_ref in ((m0, b0), (m1, b1), (m2, b2)):
            nh = []
            for j in range(5):
                acc = jnp.broadcast_to(b_ref[pl.ds(16 * j, 16)].reshape(1, 16), (BLK, 16))
                for k in range(5):
                    acc = acc + jnp.dot(hs[k], m_ref[pl.ds(16 * k, 16), pl.ds(16 * j, 16)],
                                        preferred_element_type=jnp.float32)
                nh.append(jnp.maximum(acc, 0.0))
            hs = nh
        for j in range(3):
            cands = []
            for p_ref in (p0, p1, p2, p3):
                acc = jnp.zeros((BLK, 16), jnp.float32)
                for k in range(5):
                    acc = acc + jnp.dot(hs[k], p_ref[pl.ds(16 * k, 16), pl.ds(16 * j, 16)],
                                        preferred_element_type=jnp.float32)
                cands.append(acc)
            o_ref[j] = jnp.maximum(jnp.maximum(cands[0], cands[1]),
                                   jnp.maximum(cands[2], cands[3]))

    full = lambda shape: pl.BlockSpec(shape, lambda i: tuple(0 for _ in shape))
    return pl.pallas_call(
        body, grid=(n // BLK,),
        in_specs=[pl.BlockSpec((5, BLK, 16), lambda i: (0, i, 0)),
                  full((80, 80)), full((80, 80)), full((80, 80)),
                  full((80,)), full((80,)), full((80,)),
                  full((80, 48)), full((80, 48)), full((80, 48)), full((80, 48))],
        out_specs=pl.BlockSpec((3, BLK, 16), lambda i: (0, i, 0)),
        out_shape=jax.ShapeDtypeStruct((3, n, 16), jnp.float32),
    )(xb, *Ms, *bs, *Ps)


def _mlp_kernel(xb, pr):
    n = xb.shape[1]

    def body(x_ref, w1, b1, w2, b2, w3, b3, o_ref):
        h = jnp.dot(x_ref[0], w1[pl.ds(0, 16), :], preferred_element_type=jnp.float32)
        h = h + jnp.dot(x_ref[1], w1[pl.ds(16, 16), :], preferred_element_type=jnp.float32)
        h = jnp.maximum(h + b1[...], 0.0)
        h = jnp.maximum(jnp.dot(h, w2[...], preferred_element_type=jnp.float32) + b2[...], 0.0)
        o_ref[...] = jnp.dot(h, w3[...], preferred_element_type=jnp.float32) + b3[...]

    full = lambda shape: pl.BlockSpec(shape, lambda i: tuple(0 for _ in shape))
    return pl.pallas_call(
        body, grid=(n // BLK,),
        in_specs=[pl.BlockSpec((2, BLK, 16), lambda i: (0, i, 0)),
                  full((32, 32)), full((32,)), full((32, 16)), full((16,)),
                  full((16, 1)), full((1,))],
        out_specs=pl.BlockSpec((BLK, 1), lambda i: (i, 0)),
        out_shape=jax.ShapeDtypeStruct((n, 1), jnp.float32),
    )(xb, pr['W1'], pr['b1'], pr['W2'], pr['b2'], pr['W3'], pr['b3'])



def _sc_mesh():
    return plsc.VectorSubcoreMesh(core_axis_name="c", subcore_axis_name="s")


def _nsplit(n_dst):
    return 2 if n_dst > 50000 else 1


@functools.partial(jax.jit, static_argnames=("E_pad", "n_dst", "NB", "h"))
def _sc_p1(src, dst, attb, xls, xrs, z, *, E_pad, n_dst, NB, h):
    T = _nsplit(n_dst)
    half = n_dst // T
    ch = 256 if NB == 8 else 512
    epw = E_pad // NWORK
    nch = epw // ch

    def body(*refs):
        src_h, dst_h, att_h = refs[0], refs[1], refs[2]
        xl_hs = refs[3:3 + NB]
        xr_hs = refs[3 + NB:3 + 2 * NB]
        z_h = refs[3 + 2 * NB]
        es_out, acc_out = refs[4 + 2 * NB], refs[5 + 2 * NB]
        sc = refs[6 + 2 * NB:]
        src_v, dst_v, dstl_v = sc[0], sc[1], sc[2]
        xg = sc[3:3 + NB]
        xr = sc[3 + NB:3 + 2 * NB]
        row_b = sc[3 + 2 * NB]
        att_v = sc[4 + 2 * NB]
        acc_s = sc[5 + 2 * NB]
        sem = sc[6 + 2 * NB]

        c = lax.axis_index("c")
        s = lax.axis_index("s")
        w = c * 16 + s

        pltpu.sync_copy(att_h, att_v)
        iota = lax.iota(jnp.int32, 16)

        def chunk_a(i, carry):
            base = pl.multiple_of(w * epw + i * ch, ch)
            pltpu.sync_copy(src_h.at[pl.ds(base, ch)], src_v)
            pltpu.sync_copy(dst_h.at[pl.ds(base, ch)], dst_v)
            descs = [pltpu.async_copy(xl_hs[j].at[src_v], xg[j], sem) for j in range(NB)]
            descs += [pltpu.async_copy(xr_hs[j].at[dst_v], xr[j], sem) for j in range(NB)]
            for d in descs:
                d.wait()

            def edge(eg, carry2):
                for u in range(4):
                    e = eg * 4 + u
                    sv0 = jnp.zeros((16,), jnp.float32)
                    sv1 = jnp.zeros((16,), jnp.float32)
                    for j in range(NB):
                        v = xg[j][e] + xr[j][e]
                        v = jnp.where(v >= 0.0, v, 0.2 * v)
                        v = v * att_v[pl.ds(16 * j, 16)]
                        if h == 2 and j >= NB // 2:
                            sv1 = sv1 + v
                        else:
                            sv0 = sv0 + v
                    s0 = jnp.sum(sv0)
                    if h == 2:
                        s1 = jnp.sum(sv1)
                        svec = jnp.where(iota == 0, s0, jnp.where(iota == 1, s1, 0.0))
                        ev = jnp.exp(svec)
                        row = jnp.where(iota < 2, ev, jnp.where(iota == 2, 1.0, 0.0))
                    else:
                        svec = jnp.where(iota == 0, s0, 0.0)
                        ev = jnp.exp(svec)
                        row = jnp.where(iota == 0, ev, jnp.where(iota == 1, 1.0, 0.0))
                    row_b[e] = row
                return carry2

            lax.fori_loop(0, ch // 4, edge, 0)
            pltpu.sync_copy(row_b, es_out.at[pl.ds(base, ch), :])
            return carry

        lax.fori_loop(0, nch, chunk_a, 0)

        for t in range(T):
            plsc.subcore_barrier()

            @pl.when(s == 0)
            def _():
                pltpu.sync_copy(z_h, acc_s)

            plsc.subcore_barrier()

            def chunk_b(i, carry):
                base = pl.multiple_of(w * epw + i * ch, ch)
                pltpu.sync_copy(dst_h.at[pl.ds(base, ch)], dst_v)
                pltpu.sync_copy(es_out.at[pl.ds(base, ch), :], row_b)
                for g in range(ch // 16):
                    dv = dst_v[pl.ds(16 * g, 16)] - (t * half)
                    ok = (dv >= 0) & (dv < half)
                    dstl_v[pl.ds(16 * g, 16)] = jnp.where(ok, dv, half)
                pltpu.sync_copy(row_b, acc_s.at[dstl_v], add=True)
                return carry

            lax.fori_loop(0, nch, chunk_b, 0)
            plsc.subcore_barrier()

            @pl.when(s == 0)
            def _():
                pltpu.sync_copy(acc_s.at[pl.ds(0, half)],
                                acc_out.at[c, pl.ds(t * half, half)])

    scratch = ([pltpu.VMEM((ch,), jnp.int32)] * 3 +
               [pltpu.VMEM((ch, 16), jnp.float32)] * (2 * NB) +
               [pltpu.VMEM((ch, 16), jnp.float32)] +
               [pltpu.VMEM((16 * NB,), jnp.float32)] +
               [pltpu.VMEM_SHARED((half + 16, 16), jnp.float32)] +
               [pltpu.SemaphoreType.DMA])
    fn = pl.kernel(
        body, mesh=_sc_mesh(),
        out_type=[jax.ShapeDtypeStruct((E_pad, 16), jnp.float32),
                  jax.ShapeDtypeStruct((2, n_dst, 16), jnp.float32)],
        scratch_types=scratch,
        compiler_params=pltpu.CompilerParams(needs_layout_passes=False, use_tc_tiling_on_sc=False))
    return fn(src, dst, attb, *xls, *xrs, z)


@functools.partial(jax.jit, static_argnames=("E_pad", "n_dst", "NB", "h", "o"))
def _sc_p2(src, dst, es, xls, z, *, E_pad, n_dst, NB, h, o):
    T = _nsplit(n_dst)
    half = n_dst // T
    ch = 512
    epw = E_pad // NWORK
    nch = epw // ch

    def body(*refs):
        src_h, dst_h, es_h = refs[0], refs[1], refs[2]
        xl_hs = refs[3:3 + NB]
        z_h = refs[3 + NB]
        accm_out = refs[4 + NB]
        sc = refs[5 + NB:]
        src_v, dst_v, dstl_v, es_v, xg, mb, acc_s, sem = sc

        c = lax.axis_index("c")
        s = lax.axis_index("s")
        w = c * 16 + s

        for j in range(NB):
            hcol = (j * 16) // o if h == 2 else 0
            for t in range(T):
                plsc.subcore_barrier()

                @pl.when(s == 0)
                def _():
                    pltpu.sync_copy(z_h, acc_s)

                plsc.subcore_barrier()

                def chunk(i, carry):
                    base = pl.multiple_of(w * epw + i * ch, ch)
                    pltpu.sync_copy(src_h.at[pl.ds(base, ch)], src_v)
                    pltpu.sync_copy(dst_h.at[pl.ds(base, ch)], dst_v)
                    pltpu.sync_copy(es_h.at[pl.ds(base, ch), :], es_v)
                    pltpu.async_copy(xl_hs[j].at[src_v], xg, sem).wait()

                    def edge(eg, carry2):
                        for u in range(8):
                            e = eg * 8 + u
                            evh = jnp.full((16,), es_v[e][hcol], jnp.float32)
                            mb[e] = evh * xg[e]
                        return carry2

                    lax.fori_loop(0, ch // 8, edge, 0)
                    for g in range(ch // 16):
                        dv = dst_v[pl.ds(16 * g, 16)] - (t * half)
                        ok = (dv >= 0) & (dv < half)
                        dstl_v[pl.ds(16 * g, 16)] = jnp.where(ok, dv, half)
                    pltpu.sync_copy(mb, acc_s.at[dstl_v], add=True)
                    return carry

                lax.fori_loop(0, nch, chunk, 0)
                plsc.subcore_barrier()

                @pl.when(s == 0)
                def _():
                    pltpu.sync_copy(acc_s.at[pl.ds(0, half)],
                                    accm_out.at[c, j, pl.ds(t * half, half)])

    scratch = [pltpu.VMEM((ch,), jnp.int32), pltpu.VMEM((ch,), jnp.int32),
               pltpu.VMEM((ch,), jnp.int32),
               pltpu.VMEM((ch, 16), jnp.float32), pltpu.VMEM((ch, 16), jnp.float32),
               pltpu.VMEM((ch, 16), jnp.float32),
               pltpu.VMEM_SHARED((half + 16, 16), jnp.float32),
               pltpu.SemaphoreType.DMA]
    fn = pl.kernel(
        body, mesh=_sc_mesh(),
        out_type=jax.ShapeDtypeStruct((2, NB, n_dst, 16), jnp.float32),
        scratch_types=scratch,
        compiler_params=pltpu.CompilerParams(needs_layout_passes=False, use_tc_tiling_on_sc=False))
    return fn(src, dst, es, *xls, z)



def _pad_k(W, kp):
    return jnp.pad(W, ((0, kp - W.shape[0]), (0, 0)))


def _blocked16(v):
    return v.reshape(-1, 16)


def _gat_layer(xb_src, xb_dst, graph, p, h, o, bn=None, relu=False):
    src, dst, E_pad, n_src, n_dst, z = graph
    C = h * o
    NB = C // 16
    kl = 16 * xb_src.shape[0]
    kr = 16 * xb_dst.shape[0]
    Wl = _pad_k(p['Wl'], kl)
    Wr = _pad_k(p['Wr'], kr)
    xls = _mm_multi(xb_src, Wl, p['bl'])
    xrs = _mm_multi(xb_dst, Wr, p['br'])
    attb = p['att'].reshape(-1)
    es, acc16 = _sc_p1(src, dst, attb, tuple(xls), tuple(xrs), z,
                       E_pad=E_pad, n_dst=n_dst, NB=NB, h=h)
    accm = _sc_p2(src, dst, es, tuple(xls), z,
                  E_pad=E_pad, n_dst=n_dst, NB=NB, h=h, o=o)
    biasb = _blocked16(p['bias'])
    if bn is not None:
        gb = _blocked16(bn['g'] * _SQ)
        betab = _blocked16(bn['beta'])
    else:
        gb = jnp.ones((NB, 16), jnp.float32)
        betab = jnp.zeros((NB, 16), jnp.float32)
    return _post_kernel(acc16, accm, biasb, gb, betab, h, o, relu)


def _processor_layers(xb, graph, gats, bns):
    for i in range(4):
        xb = _gat_layer(xb, xb, graph, gats[i], *gats[i]['att'].shape,
                        bn=bns[i], relu=True)
    return _gat_layer(xb, xb, graph, gats[4], *gats[4]['att'].shape, relu=True)


def _prep_graph(src, dst, n_dst):
    e = src.shape[0]
    unit = NWORK * 512
    E_pad = ((e + unit - 1) // unit) * unit
    src_p = jnp.concatenate([src.astype(jnp.int32),
                             jnp.zeros((E_pad - e,), jnp.int32)])
    dst_p = jnp.concatenate([dst.astype(jnp.int32),
                             jnp.full((E_pad - e,), n_dst, jnp.int32)])
    z = jnp.zeros((n_dst // _nsplit(n_dst) + 16, 16), jnp.float32)
    return (src_p, dst_p, E_pad, None, n_dst, z)


def _cnn_mats(layers):
    taps = []
    for di in range(3):
        for dj in range(3):
            S = np.zeros((80, 80), np.float32)
            for cc in range(5):
                for io in range(4):
                    for jo in range(4):
                        ii, jj = io + di - 1, jo + dj - 1
                        if 0 <= ii < 4 and 0 <= jj < 4:
                            S[cc * 16 + ii * 4 + jj, cc * 16 + io * 4 + jo] = 1.0
            taps.append(jnp.asarray(S))
    Ms, bs = [], []
    for l in layers:
        w = l['w'].reshape(5, 9)
        M = jnp.zeros((80, 80), jnp.float32)
        for t in range(9):
            M = M + jnp.repeat(w[:, t], 16)[:, None] * taps[t]
        sc = _SQ * l['g']
        M = M * jnp.repeat(sc, 16)[None, :]
        b = jnp.repeat(l['b'] * sc + l['beta'], 16)
        Ms.append(M)
        bs.append(b)
    Ps = [np.zeros((80, 48), np.float32) for _ in range(4)]
    for cc in range(5):
        for r in range(3):
            for cl in range(3):
                els = [(i, j)
                       for i in (2 * r - 1, 2 * r) if 0 <= i < 4
                       for j in (2 * cl - 1, 2 * cl) if 0 <= j < 4]
                for k in range(4):
                    i, j = els[min(k, len(els) - 1)]
                    Ps[k][cc * 16 + i * 4 + j, cc * 9 + r * 3 + cl] = 1.0
    return Ms, bs, [jnp.asarray(P) for P in Ps]


def kernel(x_low, x_up, x_high, z_std, edge_index_low, edge_l2u_src, edge_l2u_dst,
           edge_index_up, edge_u2h_src, edge_u2h_dst, edge_index_high, params):
    g_low = _prep_graph(edge_index_low[0], edge_index_low[1], N_LOW)
    g_l2u = _prep_graph(edge_l2u_src, edge_l2u_dst, N_UP)
    g_up = _prep_graph(edge_index_up[0], edge_index_up[1], N_UP)
    g_u2h = _prep_graph(edge_u2h_src, edge_u2h_dst, N_HIGH)
    g_high = _prep_graph(edge_index_high[0], edge_index_high[1], N_HIGH)

    xb = jnp.transpose(x_low.reshape(N_LOW, 5, 16), (1, 0, 2))
    Ms, bs, Ps = _cnn_mats(params['cnn'])
    enc_low = _cnn_kernel(xb, Ms, bs, Ps)

    enc_low = _processor_layers(enc_low, g_low, params['low_gats'], params['low_bns'])

    xup_b = jnp.pad(x_up, ((0, 0), (0, 15)))[None]
    enc_up = _gat_layer(enc_low, xup_b, g_l2u, params['down_l2u'], 1, 32)
    enc_up = _processor_layers(enc_up, g_up, params['up_gats'], params['up_bns'])

    xhigh_b = jnp.pad(x_high, ((0, 0), (0, 15)))[None]
    enc_high = _gat_layer(enc_up, xhigh_b, g_u2h, params['down_u2h'], 1, 32)

    zb = jnp.pad(z_std, ((0, 0), (0, 15)))[None]
    xb_high = jnp.concatenate([enc_high, zb], axis=0)
    hg = dict(params['high_gats'][0])
    Wl0 = jnp.concatenate([hg['Wl'][1:], hg['Wl'][:1]], axis=0)
    Wr0 = jnp.concatenate([hg['Wr'][1:], hg['Wr'][:1]], axis=0)
    hg['Wl'], hg['Wr'] = Wl0, Wr0
    high_gats = [hg] + list(params['high_gats'][1:])
    enc_high = _processor_layers(xb_high, g_high, high_gats, params['high_bns'])

    return _mlp_kernel(enc_high, params['pred'])

# --- scband reference (transcript-rebuilt; emitter-appended) ---
"""Pipeline reference for scband-hi-res-precip-net-up-cnn-gnn-1563368096256 (READ-ONLY COPY).

The authoritative reference and input builder live on the scoring server;
editing this copy changes nothing except your own understanding.
"""

import jax, jax.numpy as jnp
import numpy as np

N_LOW, N_UP, N_HIGH = 10000, 50000, 100000
E_LL, E_LU, E_UU, E_UH, E_HH = 320000, 200000, 800000, 400000, 800000
LOW_H, UP_H, HIGH_H = 64, 32, 32
NVARS = 5
EPS = 1e-5


def _k(i):
    return jax.random.fold_in(jax.random.key(0), i)


def _gat(i, in_src, in_dst, heads, out):
    return {'Wl': jax.random.normal(_k(i), (in_src, heads * out), jnp.float32) * 0.1,
            'bl': jnp.zeros((heads * out,), jnp.float32),
            'Wr': jax.random.normal(_k(i + 1), (in_dst, heads * out), jnp.float32) * 0.1,
            'br': jnp.zeros((heads * out,), jnp.float32),
            'att': jax.random.normal(_k(i + 2), (heads, out), jnp.float32) * 0.1,
            'bias': jnp.zeros((heads * out,), jnp.float32)}


def _bn(dim):
    return {'g': jnp.ones((dim,), jnp.float32), 'beta': jnp.zeros((dim,), jnp.float32)}


def _make_params():
    p = {}
    p['cnn'] = [{'w': jax.random.normal(_k(10 + j), (NVARS, 1, 3, 3), jnp.float32) * 0.1,
                 'b': jnp.zeros((NVARS,), jnp.float32),
                 'g': jnp.ones((NVARS,), jnp.float32),
                 'beta': jnp.zeros((NVARS,), jnp.float32)} for j in range(3)]
    p['low_gats'] = [_gat(20, 45, 45, 2, LOW_H)] + [_gat(23 + 3 * j, 2 * LOW_H, 2 * LOW_H, 2, LOW_H) for j in range(3)] + [_gat(32, 2 * LOW_H, 2 * LOW_H, 1, LOW_H)]
    p['low_bns'] = [_bn(2 * LOW_H) for _ in range(4)]
    p['down_l2u'] = _gat(40, LOW_H, 1, 1, UP_H)
    p['up_gats'] = [_gat(50, UP_H, UP_H, 2, UP_H)] + [_gat(53 + 3 * j, 2 * UP_H, 2 * UP_H, 2, UP_H) for j in range(3)] + [_gat(62, 2 * UP_H, 2 * UP_H, 1, UP_H)]
    p['up_bns'] = [_bn(2 * UP_H) for _ in range(4)]
    p['down_u2h'] = _gat(70, UP_H, 1, 1, HIGH_H)
    p['high_gats'] = [_gat(80, HIGH_H + 1, HIGH_H + 1, 2, HIGH_H)] + [_gat(83 + 3 * j, 2 * HIGH_H, 2 * HIGH_H, 2, HIGH_H) for j in range(3)] + [_gat(92, 2 * HIGH_H, 2 * HIGH_H, 1, HIGH_H)]
    p['high_bns'] = [_bn(2 * HIGH_H) for _ in range(4)]
    p['pred'] = {'W1': jax.random.normal(_k(95), (HIGH_H, HIGH_H), jnp.float32) * 0.1,
                 'b1': jnp.zeros((HIGH_H,), jnp.float32),
                 'W2': jax.random.normal(_k(96), (HIGH_H, 16), jnp.float32) * 0.1,
                 'b2': jnp.zeros((16,), jnp.float32),
                 'W3': jax.random.normal(_k(97), (16, 1), jnp.float32) * 0.1,
                 'b3': jnp.zeros((1,), jnp.float32)}
    return p


def setup_inputs():
    return {'x_low': jax.random.normal(_k(1), (N_LOW, NVARS, 4, 4), jnp.float32),
            'x_up': jax.random.normal(_k(2), (N_UP, 1), jnp.float32),
            'x_high': jax.random.normal(_k(3), (N_HIGH, 1), jnp.float32),
            'z_std': jax.random.normal(_k(4), (N_HIGH, 1), jnp.float32),
            'edge_index_low': jax.random.randint(_k(5), (2, E_LL), 0, N_LOW),
            'edge_l2u_src': jax.random.randint(_k(6), (E_LU,), 0, N_LOW),
            'edge_l2u_dst': jax.random.randint(_k(7), (E_LU,), 0, N_UP),
            'edge_index_up': jax.random.randint(_k(8), (2, E_UU), 0, N_UP),
            'edge_u2h_src': jax.random.randint(_k(9), (E_UH,), 0, N_UP),
            'edge_u2h_dst': jax.random.randint(_k(110), (E_UH,), 0, N_HIGH),
            'edge_index_high': jax.random.randint(_k(111), (2, E_HH), 0, N_HIGH),
            'params': _make_params()}


def _segment_softmax(scores, seg, num):
    m = jax.ops.segment_max(scores, seg, num_segments=num)
    m = jnp.where(jnp.isfinite(m), m, 0.0)
    e = jnp.exp(scores - m[seg])
    d = jax.ops.segment_sum(e, seg, num_segments=num)
    return e / (d[seg] + 1e-16)


def _gatv2(x_src, x_dst, src, dst, p, num_dst):
    heads, out = p['att'].shape
    xl = (x_src @ p['Wl'] + p['bl']).reshape(-1, heads, out)
    xr = (x_dst @ p['Wr'] + p['br']).reshape(-1, heads, out)
    e = jax.nn.leaky_relu(xl[src] + xr[dst], negative_slope=0.2)
    score = jnp.sum(e * p['att'][None, :, :], axis=-1)
    alpha = _segment_softmax(score, dst, num_dst)
    msg = (xl[src] * alpha[:, :, None]).reshape(src.shape[0], heads * out)
    s = jax.ops.segment_sum(msg, dst, num_segments=num_dst)
    cnt = jax.ops.segment_sum(jnp.ones((src.shape[0],), jnp.float32), dst, num_segments=num_dst)
    return s / jnp.maximum(cnt, 1.0)[:, None] + p['bias']


def _bn_apply(x, p):
    return x / np.float32(np.sqrt(1.0 + EPS)) * p['g'] + p['beta']


def _processor(x, ei, gats, bns, num):
    src, dst = ei[0], ei[1]
    for i in range(4):
        x = jax.nn.relu(_bn_apply(_gatv2(x, x, src, dst, gats[i], num), bns[i]))
    return jax.nn.relu(_gatv2(x, x, src, dst, gats[4], num))


def _cnn(x, layers):
    for l in layers:
        x = jax.lax.conv_general_dilated(x, l['w'], (1, 1), [(1, 1), (1, 1)],
                                         dimension_numbers=('NCHW', 'OIHW', 'NCHW'),
                                         feature_group_count=NVARS)
        x = x + l['b'][None, :, None, None]
        x = x / np.float32(np.sqrt(1.0 + EPS)) * l['g'][None, :, None, None] + l['beta'][None, :, None, None]
        x = jax.nn.relu(x)
    x = jax.lax.reduce_window(x, -jnp.inf, jax.lax.max, (1, 1, 2, 2), (1, 1, 2, 2),
                              [(0, 0), (0, 0), (1, 1), (1, 1)])
    return x.reshape(x.shape[0], -1)


def _forward(x_low, x_up, x_high, z_std, ei_low, l2u_src, l2u_dst, ei_up, u2h_src, u2h_dst, ei_high, params):
    enc_low = _cnn(x_low, params['cnn'])
    enc_low = _processor(enc_low, ei_low, params['low_gats'], params['low_bns'], N_LOW)
    enc_up = _gatv2(enc_low, x_up, l2u_src, l2u_dst, params['down_l2u'], N_UP)
    enc_up = _processor(enc_up, ei_up, params['up_gats'], params['up_bns'], N_UP)
    enc_high = _gatv2(enc_up, x_high, u2h_src, u2h_dst, params['down_u2h'], N_HIGH)
    enc_high = jnp.concatenate([z_std, enc_high], axis=-1)
    enc_high = _processor(enc_high, ei_high, params['high_gats'], params['high_bns'], N_HIGH)
    pr = params['pred']
    h = jax.nn.relu(enc_high @ pr['W1'] + pr['b1'])
    h = jax.nn.relu(h @ pr['W2'] + pr['b2'])
    return h @ pr['W3'] + pr['b3']


def reference(x_low, x_up, x_high, z_std, edge_index_low, edge_l2u_src, edge_l2u_dst, edge_index_up, edge_u2h_src, edge_u2h_dst, edge_index_high, params):
    return _forward(x_low, x_up, x_high, z_std, edge_index_low, edge_l2u_src, edge_l2u_dst,
                    edge_index_up, edge_u2h_src, edge_u2h_dst, edge_index_high, params)

if __name__ == "__main__":
    import jax
    _d = setup_inputs()
    print(jax.jit(kernel)(*tuple(_d.values())))

</pallas_src>

<mosaic_0001>
#map = affine_map<(d0, d1) -> (0)>
#map1 = affine_map<(d0, d1) -> (0, 0)>
#map2 = affine_map<(d0, d1) -> (0, 0, 0)>
module attributes {stable_mosaic.version = 14 : i64} {
  func.func @body(%arg0: i32, %arg1: i32, %arg2: memref<327680xi32, #tpu.memory_space<hbm>>, %arg3: memref<327680xi32, #tpu.memory_space<hbm>>, %arg4: memref<128xf32, #tpu.memory_space<hbm>>, %arg5: memref<10016x16xf32, #tpu.memory_space<hbm>>, %arg6: memref<10016x16xf32, #tpu.memory_space<hbm>>, %arg7: memref<10016x16xf32, #tpu.memory_space<hbm>>, %arg8: memref<10016x16xf32, #tpu.memory_space<hbm>>, %arg9: memref<10016x16xf32, #tpu.memory_space<hbm>>, %arg10: memref<10016x16xf32, #tpu.memory_space<hbm>>, %arg11: memref<10016x16xf32, #tpu.memory_space<hbm>>, %arg12: memref<10016x16xf32, #tpu.memory_space<hbm>>, %arg13: memref<10016x16xf32, #tpu.memory_space<hbm>>, %arg14: memref<10016x16xf32, #tpu.memory_space<hbm>>, %arg15: memref<10016x16xf32, #tpu.memory_space<hbm>>, %arg16: memref<10016x16xf32, #tpu.memory_space<hbm>>, %arg17: memref<10016x16xf32, #tpu.memory_space<hbm>>, %arg18: memref<10016x16xf32, #tpu.memory_space<hbm>>, %arg19: memref<10016x16xf32, #tpu.memory_space<hbm>>, %arg20: memref<10016x16xf32, #tpu.memory_space<hbm>>, %arg21: memref<10016x16xf32, #tpu.memory_space<hbm>>, %arg22: memref<327680x16xf32, #tpu.memory_space<hbm>>, %arg23: memref<2x10000x16xf32, #tpu.memory_space<hbm>>, %arg24: memref<256xi32, #tpu.memory_space<vmem>>, %arg25: memref<256xi32, #tpu.memory_space<vmem>>, %arg26: memref<256xi32, #tpu.memory_space<vmem>>, %arg27: memref<256x16xf32, #tpu.memory_space<vmem>>, %arg28: memref<256x16xf32, #tpu.memory_space<vmem>>, %arg29: memref<256x16xf32, #tpu.memory_space<vmem>>, %arg30: memref<256x16xf32, #tpu.memory_space<vmem>>, %arg31: memref<256x16xf32, #tpu.memory_space<vmem>>, %arg32: memref<256x16xf32, #tpu.memory_space<vmem>>, %arg33: memref<256x16xf32, #tpu.memory_space<vmem>>, %arg34: memref<256x16xf32, #tpu.memory_space<vmem>>, %arg35: memref<256x16xf32, #tpu.memory_space<vmem>>, %arg36: memref<256x16xf32, #tpu.memory_space<vmem>>, %arg37: memref<256x16xf32, #tpu.memory_space<vmem>>, %arg38: memref<256x16xf32, #tpu.memory_space<vmem>>, %arg39: memref<256x16xf32, #tpu.memory_space<vmem>>, %arg40: memref<256x16xf32, #tpu.memory_space<vmem>>, %arg41: memref<256x16xf32, #tpu.memory_space<vmem>>, %arg42: memref<256x16xf32, #tpu.memory_space<vmem>>, %arg43: memref<256x16xf32, #tpu.memory_space<vmem>>, %arg44: memref<128xf32, #tpu.memory_space<vmem>>, %arg45: memref<10016x16xf32, #tpu.memory_space<vmem_shared>>, %arg46: memref<!tpu.dma_semaphore, #tpu.memory_space<semaphore_mem>>) attributes {dimension_semantics = [#tpu.dimension_semantics<core_parallel>, #tpu.dimension_semantics<subcore_parallel>], iteration_bounds = array<i64: 2, 16>, scalar_prefetch = 0 : i64, scratch_operands = 23 : i64, tpu.core_type = #tpu.core_type<sc_vector_subcore>, window_params = [{transform_indices = #map}, {transform_indices = #map}, {transform_indices = #map}, {transform_indices = #map1}, {transform_indices = #map1}, {transform_indices = #map1}, {transform_indices = #map1}, {transform_indices = #map1}, {transform_indices = #map1}, {transform_indices = #map1}, {transform_indices = #map1}, {transform_indices = #map1}, {transform_indices = #map1}, {transform_indices = #map1}, {transform_indices = #map1}, {transform_indices = #map1}, {transform_indices = #map1}, {transform_indices = #map1}, {transform_indices = #map1}, {transform_indices = #map1}, {transform_indices = #map1}, {transform_indices = #map2}]} {
    %mul3A = arith.constant 16 : i32
    %mul3A_0 = arith.muli %arg0, %mul3A : i32
    %add3A = arith.addi %mul3A_0, %arg1 : i32
    "tpu.region"() ({
      %run_scoped3A = tpu.sem_alloc : memref<!tpu.dma_semaphore, #tpu.memory_space<semaphore_mem>>
      tpu.enqueue_dma source(%arg4 : memref<128xf32, #tpu.memory_space<hbm>>) target(%arg44 : memref<128xf32, #tpu.memory_space<vmem>>) target_semaphore(%run_scoped3A : memref<!tpu.dma_semaphore, #tpu.memory_space<semaphore_mem>>)
      tpu.wait_dma2 semaphore(%run_scoped3A : memref<!tpu.dma_semaphore, #tpu.memory_space<semaphore_mem>>) src(%arg4 : memref<128xf32, #tpu.memory_space<hbm>>) dst(%arg44 : memref<128xf32, #tpu.memory_space<vmem>>)
      tpu.yield
    }) : () -> ()
    %iota3A = tpu.iota {dimensions = array<i32: 0>} : vector<16xi32>
    %scan3A = arith.constant 0 : i32
    %scan3A_1 = arith.constant 0 : i32
    %scan3A_2 = arith.constant 40 : i32
    %scan3A_3 = arith.addi %scan3A_1, %scan3A_2 : i32
    %scan3A_4 = arith.constant 1 : i32
    scf.for %scan3A_21 = %scan3A_1 to %scan3A_3 step %scan3A_4  : i32 {
      %mul3A_22 = arith.constant 10240 : i32
      %mul3A_23 = arith.muli %add3A, %mul3A_22 : i32
      %mul3A_24 = arith.constant 256 : i32
      %mul3A_25 = arith.muli %scan3A_21, %mul3A_24 : i32
      %add3A_26 = arith.addi %mul3A_23, %mul3A_25 : i32
      %multiple_of3A = tpu.assume_multiple %add3A_26, 256 : i32
      "tpu.region"() ({
        %run_scoped3A = tpu.sem_alloc : memref<!tpu.dma_semaphore, #tpu.memory_space<semaphore_mem>>
        %dma_start3A_127 = tpu.memref_slice %arg2[%multiple_of3A] : memref<327680xi32, #tpu.memory_space<hbm>> -> memref<256xi32, #tpu.memory_space<hbm>>
        %dma_start3A_128 = tpu.memref_slice %arg2[%multiple_of3A] : memref<327680xi32, #tpu.memory_space<hbm>> -> memref<256xi32, #tpu.memory_space<hbm>>
        tpu.enqueue_dma source(%dma_start3A_128 : memref<256xi32, #tpu.memory_space<hbm>>) target(%arg24 : memref<256xi32, #tpu.memory_space<vmem>>) target_semaphore(%run_scoped3A : memref<!tpu.dma_semaphore, #tpu.memory_space<semaphore_mem>>)
        %dma_wait3A_129 = tpu.memref_slice %arg2[%multiple_of3A] : memref<327680xi32, #tpu.memory_space<hbm>> -> memref<256xi32, #tpu.memory_space<hbm>>
        %dma_wait3A_130 = tpu.memref_slice %arg2[%multiple_of3A] : memref<327680xi32, #tpu.memory_space<hbm>> -> memref<256xi32, #tpu.memory_space<hbm>>
        tpu.wait_dma2 semaphore(%run_scoped3A : memref<!tpu.dma_semaphore, #tpu.memory_space<semaphore_mem>>) src(%dma_wait3A_130 : memref<256xi32, #tpu.memory_space<hbm>>) dst(%arg24 : memref<256xi32, #tpu.memory_space<vmem>>)
        tpu.yield
      }) : () -> ()
      "tpu.region"() ({
        %run_scoped3A = tpu.sem_alloc : memref<!tpu.dma_semaphore, #tpu.memory_space<semaphore_mem>>
        %dma_start3A_127 = tpu.memref_slice %arg3[%multiple_of3A] : memref<327680xi32, #tpu.memory_space<hbm>> -> memref<256xi32, #tpu.memory_space<hbm>>
        %dma_start3A_128 = tpu.memref_slice %arg3[%multiple_of3A] : memref<327680xi32, #tpu.memory_space<hbm>> -> memref<256xi32, #tpu.memory_space<hbm>>
        tpu.enqueue_dma source(%dma_start3A_128 : memref<256xi32, #tpu.memory_space<hbm>>) target(%arg25 : memref<256xi32, #tpu.memory_space<vmem>>) target_semaphore(%run_scoped3A : memref<!tpu.dma_semaphore, #tpu.memory_space<semaphore_mem>>)
        %dma_wait3A_129 = tpu.memref_slice %arg3[%multiple_of3A] : memref<327680xi32, #tpu.memory_space<hbm>> -> memref<256xi32, #tpu.memory_space<hbm>>
        %dma_wait3A_130 = tpu.memref_slice %arg3[%multiple_of3A] : memref<327680xi32, #tpu.memory_space<hbm>> -> memref<256xi32, #tpu.memory_space<hbm>>
        tpu.wait_dma2 semaphore(%run_scoped3A : memref<!tpu.dma_semaphore, #tpu.memory_space<semaphore_mem>>) src(%dma_wait3A_130 : memref<256xi32, #tpu.memory_space<hbm>>) dst(%arg25 : memref<256xi32, #tpu.memory_space<vmem>>)
        tpu.yield
      }) : () -> ()
      %dma_start3A = arith.constant 0 : i32
      %dma_start3A_27 = arith.constant 0 : i32
      %dma_start3A_28 = tpu.memref_slice %arg5[%dma_start3A, %dma_start3A_27] : memref<10016x16xf32, #tpu.memory_space<hbm>> -> memref<10016x16xf32, #tpu.memory_space<hbm>>
      tpu.enqueue_indirect_dma source(%dma_start3A_28 : memref<10016x16xf32, #tpu.memory_space<hbm>>) target(%arg27 : memref<256x16xf32, #tpu.memory_space<vmem>>) offsets(%arg24 : memref<256xi32, #tpu.memory_space<vmem>>) semaphore(%arg46 : memref<!tpu.dma_semaphore, #tpu.memory_space<semaphore_mem>>)
      %dma_start3A_29 = arith.constant 0 : i32
      %dma_start3A_30 = arith.constant 0 : i32
      %dma_start3A_31 = tpu.memref_slice %arg6[%dma_start3A_29, %dma_start3A_30] : memref<10016x16xf32, #tpu.memory_space<hbm>> -> memref<10016x16xf32, #tpu.memory_space<hbm>>
      tpu.enqueue_indirect_dma source(%dma_start3A_31 : memref<10016x16xf32, #tpu.memory_space<hbm>>) target(%arg28 : memref<256x16xf32, #tpu.memory_space<vmem>>) offsets(%arg24 : memref<256xi32, #tpu.memory_space<vmem>>) semaphore(%arg46 : memref<!tpu.dma_semaphore, #tpu.memory_space<semaphore_mem>>)
      %dma_start3A_32 = arith.constant 0 : i32
      %dma_start3A_33 = arith.constant 0 : i32
      %dma_start3A_34 = tpu.memref_slice %arg7[%dma_start3A_32, %dma_start3A_33] : memref<10016x16xf32, #tpu.memory_space<hbm>> -> memref<10016x16xf32, #tpu.memory_space<hbm>>
      tpu.enqueue_indirect_dma source(%dma_start3A_34 : memref<10016x16xf32, #tpu.memory_space<hbm>>) target(%arg29 : memref<256x16xf32, #tpu.memory_space<vmem>>) offsets(%arg24 : memref<256xi32, #tpu.memory_space<vmem>>) semaphore(%arg46 : memref<!tpu.dma_semaphore, #tpu.memory_space<semaphore_mem>>)
      %dma_start3A_35 = arith.constant 0 : i32
      %dma_start3A_36 = arith.constant 0 : i32
      %dma_start3A_37 = tpu.memref_slice %arg8[%dma_start3A_35, %dma_start3A_36] : memref<10016x16xf32, #tpu.memory_space<hbm>> -> memref<10016x16xf32, #tpu.memory_space<hbm>>
      tpu.enqueue_indirect_dma source(%dma_start3A_37 : memref<10016x16xf32, #tpu.memory_space<hbm>>) target(%arg30 : memref<256x16xf32, #tpu.memory_space<vmem>>) offsets(%arg24 : memref<256xi32, #tpu.memory_space<vmem>>) semaphore(%arg46 : memref<!tpu.dma_semaphore, #tpu.memory_space<semaphore_mem>>)
      %dma_start3A_38 = arith.constant 0 : i32
      %dma_start3A_39 = arith.constant 0 : i32
      %dma_start3A_40 = tpu.memref_slice %arg9[%dma_start3A_38, %dma_start3A_39] : memref<10016x16xf32, #tpu.memory_space<hbm>> -> memref<10016x16xf32, #tpu.memory_space<hbm>>
      tpu.enqueue_indirect_dma source(%dma_start3A_40 : memref<10016x16xf32, #tpu.memory_space<hbm>>) target(%arg31 : memref<256x16xf32, #tpu.memory_space<vmem>>) offsets(%arg24 : memref<256xi32, #tpu.memory_space<vmem>>) semaphore(%arg46 : memref<!tpu.dma_semaphore, #tpu.memory_space<semaphore_mem>>)
      %dma_start3A_41 = arith.constant 0 : i32
      %dma_start3A_42 = arith.constant 0 : i32
      %dma_start3A_43 = tpu.memref_slice %arg10[%dma_start3A_41, %dma_start3A_42] : memref<10016x16xf32, #tpu.memory_space<hbm>> -> memref<10016x16xf32, #tpu.memory_space<hbm>>
      tpu.enqueue_indirect_dma source(%dma_start3A_43 : memref<10016x16xf32, #tpu.memory_space<hbm>>) target(%arg32 : memref<256x16xf32, #tpu.memory_space<vmem>>) offsets(%arg24 : memref<256xi32, #tpu.memory_space<vmem>>) semaphore(%arg46 : memref<!tpu.dma_semaphore, #tpu.memory_space<semaphore_mem>>)
      %dma_start3A_44 = arith.constant 0 : i32
      %dma_start3A_45 = arith.constant 0 : i32
      %dma_start3A_46 = tpu.memref_slice %arg11[%dma_start3A_44, %dma_start3A_45] : memref<10016x16xf32, #tpu.memory_space<hbm>> -> memref<10016x16xf32, #tpu.memory_space<hbm>>
      tpu.enqueue_indirect_dma source(%dma_start3A_46 : memref<10016x16xf32, #tpu.memory_space<hbm>>) target(%arg33 : memref<256x16xf32, #tpu.memory_space<vmem>>) offsets(%arg24 : memref<256xi32, #tpu.memory_space<vmem>>) semaphore(%arg46 : memref<!tpu.dma_semaphore, #tpu.memory_space<semaphore_mem>>)
      %dma_start3A_47 = arith.constant 0 : i32
      %dma_start3A_48 = arith.constant 0 : i32
      %dma_start3A_49 = tpu.memref_slice %arg12[%dma_start3A_47, %dma_start3A_48] : memref<10016x16xf32, #tpu.memory_space<hbm>> -> memref<10016x16xf32, #tpu.memory_space<hbm>>
      tpu.enqueue_indirect_dma source(%dma_start3A_49 : memref<10016x16xf32, #tpu.memory_space<hbm>>) target(%arg34 : memref<256x16xf32, #tpu.memory_space<vmem>>) offsets(%arg24 : memref<256xi32, #tpu.memory_space<vmem>>) semaphore(%arg46 : memref<!tpu.dma_semaphore, #tpu.memory_space<semaphore_mem>>)
      %dma_start3A_50 = arith.constant 0 : i32
      %dma_start3A_51 = arith.constant 0 : i32
      %dma_start3A_52 = tpu.memref_slice %arg13[%dma_start3A_50, %dma_start3A_51] : memref<10016x16xf32, #tpu.memory_space<hbm>> -> memref<10016x16xf32, #tpu.memory_space<hbm>>
      tpu.enqueue_indirect_dma source(%dma_start3A_52 : memref<10016x16xf32, #tpu.memory_space<hbm>>) target(%arg35 : memref<256x16xf32, #tpu.memory_space<vmem>>) offsets(%arg25 : memref<256xi32, #tpu.memory_space<vmem>>) semaphore(%arg46 : memref<!tpu.dma_semaphore, #tpu.memory_space<semaphore_mem>>)
      %dma_start3A_53 = arith.constant 0 : i32
      %dma_start3A_54 = arith.constant 0 : i32
      %dma_start3A_55 = tpu.memref_slice %arg14[%dma_start3A_53, %dma_start3A_54] : memref<10016x16xf32, #tpu.memory_space<hbm>> -> memref<10016x16xf32, #tpu.memory_space<hbm>>
      tpu.enqueue_indirect_dma source(%dma_start3A_55 : memref<10016x16xf32, #tpu.memory_space<hbm>>) target(%arg36 : memref<256x16xf32, #tpu.memory_space<vmem>>) offsets(%arg25 : memref<256xi32, #tpu.memory_space<vmem>>) semaphore(%arg46 : memref<!tpu.dma_semaphore, #tpu.memory_space<semaphore_mem>>)
      %dma_start3A_56 = arith.constant 0 : i32
      %dma_start3A_57 = arith.constant 0 : i32
      %dma_start3A_58 = tpu.memref_slice %arg15[%dma_start3A_56, %dma_start3A_57] : memref<10016x16xf32, #tpu.memory_space<hbm>> -> memref<10016x16xf32, #tpu.memory_space<hbm>>
      tpu.enqueue_indirect_dma source(%dma_start3A_58 : memref<10016x16xf32, #tpu.memory_space<hbm>>) target(%arg37 : memref<256x16xf32, #tpu.memory_space<vmem>>) offsets(%arg25 : memref<256xi32, #tpu.memory_space<vmem>>) semaphore(%arg46 : memref<!tpu.dma_semaphore, #tpu.memory_space<semaphore_mem>>)
      %dma_start3A_59 = arith.constant 0 : i32
      %dma_start3A_60 = arith.constant 0 : i32
      %dma_start3A_61 = tpu.memref_slice %arg16[%dma_start3A_59, %dma_start3A_60] : memref<10016x16xf32, #tpu.memory_space<hbm>> -> memref<10016x16xf32, #tpu.memory_space<hbm>>
      tpu.enqueue_indirect_dma source(%dma_start3A_61 : memref<10016x16xf32, #tpu.memory_space<hbm>>) target(%arg38 : memref<256x16xf32, #tpu.memory_space<vmem>>) offsets(%arg25 : memref<256xi32, #tpu.memory_space<vmem>>) semaphore(%arg46 : memref<!tpu.dma_semaphore, #tpu.memory_space<semaphore_mem>>)
      %dma_start3A_62 = arith.constant 0 : i32
      %dma_start3A_63 = arith.constant 0 : i32
      %dma_start3A_64 = tpu.memref_slice %arg17[%dma_start3A_62, %dma_start3A_63] : memref<10016x16xf32, #tpu.memory_space<hbm>> -> memref<10016x16xf32, #tpu.memory_space<hbm>>
      tpu.enqueue_indirect_dma source(%dma_start3A_64 : memref<10016x16xf32, #tpu.memory_space<hbm>>) target(%arg39 : memref<256x16xf32, #tpu.memory_space<vmem>>) offsets(%arg25 : memref<256xi32, #tpu.memory_space<vmem>>) semaphore(%arg46 : memref<!tpu.dma_semaphore, #tpu.memory_space<semaphore_mem>>)
      %dma_start3A_65 = arith.constant 0 : i32
      %dma_start3A_66 = arith.constant 0 : i32
      %dma_start3A_67 = tpu.memref_slice %arg18[%dma_start3A_65, %dma_start3A_66] : memref<10016x16xf32, #tpu.memory_space<hbm>> -> memref<10016x16xf32, #tpu.memory_space<hbm>>
      tpu.enqueue_indirect_dma source(%dma_start3A_67 : memref<10016x16xf32, #tpu.memory_space<hbm>>) target(%arg40 : memref<256x16xf32, #tpu.memory_space<vmem>>) offsets(%arg25 : memref<256xi32, #tpu.memory_space<vmem>>) semaphore(%arg46 : memref<!tpu.dma_semaphore, #tpu.memory_space<semaphore_mem>>)
      %dma_start3A_68 = arith.constant 0 : i32
      %dma_start3A_69 = arith.constant 0 : i32
      %dma_start3A_70 = tpu.memref_slice %arg19[%dma_start3A_68, %dma_start3A_69] : memref<10016x16xf32, #tpu.memory_space<hbm>> -> memref<10016x16xf32, #tpu.memory_space<hbm>>
      tpu.enqueue_indirect_dma source(%dma_start3A_70 : memref<10016x16xf32, #tpu.memory_space<hbm>>) target(%arg41 : memref<256x16xf32, #tpu.memory_space<vmem>>) offsets(%arg25 : memref<256xi32, #tpu.memory_space<vmem>>) semaphore(%arg46 : memref<!tpu.dma_semaphore, #tpu.memory_space<semaphore_mem>>)
      %dma_start3A_71 = arith.constant 0 : i32
      %dma_start3A_72 = arith.constant 0 : i32
      %dma_start3A_73 = tpu.memref_slice %arg20[%dma_start3A_71, %dma_start3A_72] : memref<10016x16xf32, #tpu.memory_space<hbm>> -> memref<10016x16xf32, #tpu.memory_space<hbm>>
      tpu.enqueue_indirect_dma source(%dma_start3A_73 : memref<10016x16xf32, #tpu.memory_space<hbm>>) target(%arg42 : memref<256x16xf32, #tpu.memory_space<vmem>>) offsets(%arg25 : memref<256xi32, #tpu.memory_space<vmem>>) semaphore(%arg46 : memref<!tpu.dma_semaphore, #tpu.memory_space<semaphore_mem>>)
      %dma_wait3A = arith.constant 0 : i32
      %dma_wait3A_74 = arith.constant 0 : i32
      %dma_wait3A_75 = tpu.memref_slice %arg5[%dma_wait3A, %dma_wait3A_74] : memref<10016x16xf32, #tpu.memory_space<hbm>> -> memref<10016x16xf32, #tpu.memory_space<hbm>>
      tpu.wait_indirect_dma semaphore(%arg46 : memref<!tpu.dma_semaphore, #tpu.memory_space<semaphore_mem>>) src(%dma_wait3A_75 : memref<10016x16xf32, #tpu.memory_space<hbm>>) dst(%arg27 : memref<256x16xf32, #tpu.memory_space<vmem>>)
      %dma_wait3A_76 = arith.constant 0 : i32
      %dma_wait3A_77 = arith.constant 0 : i32
      %dma_wait3A_78 = tpu.memref_slice %arg6[%dma_wait3A_76, %dma_wait3A_77] : memref<10016x16xf32, #tpu.memory_space<hbm>> -> memref<10016x16xf32, #tpu.memory_space<hbm>>
      tpu.wait_indirect_dma semaphore(%arg46 : memref<!tpu.dma_semaphore, #tpu.memory_space<semaphore_mem>>) src(%dma_wait3A_78 : memref<10016x16xf32, #tpu.memory_space<hbm>>) dst(%arg28 : memref<256x16xf32, #tpu.memory_space<vmem>>)
      %dma_wait3A_79 = arith.constant 0 : i32
      %dma_wait3A_80 = arith.constant 0 : i32
      %dma_wait3A_81 = tpu.memref_slice %arg7[%dma_wait3A_79, %dma_wait3A_80] : memref<10016x16xf32, #tpu.memory_space<hbm>> -> memref<10016x16xf32, #tpu.memory_space<hbm>>
      tpu.wait_indirect_dma semaphore(%arg46 : memref<!tpu.dma_semaphore, #tpu.memory_space<semaphore_mem>>) src(%dma_wait3A_81 : memref<10016x16xf32, #tpu.memory_space<hbm>>) dst(%arg29 : memref<256x16xf32, #tpu.memory_space<vmem>>)
      %dma_wait3A_82 = arith.constant 0 : i32
      %dma_wait3A_83 = arith.constant 0 : i32
      %dma_wait3A_84 = tpu.memref_slice %arg8[%dma_wait3A_82, %dma_wait3A_83] : memref<10016x16xf32, #tpu.memory_space<hbm>> -> memref<10016x16xf32, #tpu.memory_space<hbm>>
      tpu.wait_indirect_dma semaphore(%arg46 : memref<!tpu.dma_semaphore, #tpu.memory_space<semaphore_mem>>) src(%dma_wait3A_84 : memref<10016x16xf32, #tpu.memory_space<hbm>>) dst(%arg30 : memref<256x16xf32, #tpu.memory_space<vmem>>)
      %dma_wait3A_85 = arith.constant 0 : i32
      %dma_wait3A_86 = arith.constant 0 : i32
      %dma_wait3A_87 = tpu.memref_slice %arg9[%dma_wait3A_85, %dma_wait3A_86] : memref<10016x16xf32, #tpu.memory_space<hbm>> -> memref<10016x16xf32, #tpu.memory_space<hbm>>
      tpu.wait_indirect_dma semaphore(%arg46 : memref<!tpu.dma_semaphore, #tpu.memory_space<semaphore_mem>>) src(%dma_wait3A_87 : memref<10016x16xf32, #tpu.memory_space<hbm>>) dst(%arg31 : memref<256x16xf32, #tpu.memory_space<vmem>>)
      %dma_wait3A_88 = arith.constant 0 : i32
      %dma_wait3A_89 = arith.constant 0 : i32
      %dma_wait3A_90 = tpu.memref_slice %arg10[%dma_wait3A_88, %dma_wait3A_89] : memref<10016x16xf32, #tpu.memory_space<hbm>> -> memref<10016x16xf32, #tpu.memory_space<hbm>>
      tpu.wait_indirect_dma semaphore(%arg46 : memref<!tpu.dma_semaphore, #tpu.memory_space<semaphore_mem>>) src(%dma_wait3A_90 : memref<10016x16xf32, #tpu.memory_space<hbm>>) dst(%arg32 : memref<256x16xf32, #tpu.memory_space<vmem>>)
      %dma_wait3A_91 = arith.constant 0 : i32
      %dma_wait3A_92 = arith.constant 0 : i32
      %dma_wait3A_93 = tpu.memref_slice %arg11[%dma_wait3A_91, %dma_wait3A_92] : memref<10016x16xf32, #tpu.memory_space<hbm>> -> memref<10016x16xf32, #tpu.memory_space<hbm>>
      tpu.wait_indirect_dma semaphore(%arg46 : memref<!tpu.dma_semaphore, #tpu.memory_space<semaphore_mem>>) src(%dma_wait3A_93 : memref<10016x16xf32, #tpu.memory_space<hbm>>) dst(%arg33 : memref<256x16xf32, #tpu.memory_space<vmem>>)
      %dma_wait3A_94 = arith.constant 0 : i32
      %dma_wait3A_95 = arith.constant 0 : i32
      %dma_wait3A_96 = tpu.memref_slice %arg12[%dma_wait3A_94, %dma_wait3A_95] : memref<10016x16xf32, #tpu.memory_space<hbm>> -> memref<10016x16xf32, #tpu.memory_space<hbm>>
      tpu.wait_indirect_dma semaphore(%arg46 : memref<!tpu.dma_semaphore, #tpu.memory_space<semaphore_mem>>) src(%dma_wait3A_96 : memref<10016x16xf32, #tpu.memory_space<hbm>>) dst(%arg34 : memref<256x16xf32, #tpu.memory_space<vmem>>)
      %dma_wait3A_97 = arith.constant 0 : i32
      %dma_wait3A_98 = arith.constant 0 : i32
      %dma_wait3A_99 = tpu.memref_slice %arg13[%dma_wait3A_97, %dma_wait3A_98] : memref<10016x16xf32, #tpu.memory_space<hbm>> -> memref<10016x16xf32, #tpu.memory_space<hbm>>
      tpu.wait_indirect_dma semaphore(%arg46 : memref<!tpu.dma_semaphore, #tpu.memory_space<semaphore_mem>>) src(%dma_wait3A_99 : memref<10016x16xf32, #tpu.memory_space<hbm>>) dst(%arg35 : memref<256x16xf32, #tpu.memory_space<vmem>>)
      %dma_wait3A_100 = arith.constant 0 : i32
      %dma_wait3A_101 = arith.constant 0 : i32
      %dma_wait3A_102 = tpu.memref_slice %arg14[%dma_wait3A_100, %dma_wait3A_101] : memref<10016x16xf32, #tpu.memory_space<hbm>> -> memref<10016x16xf32, #tpu.memory_space<hbm>>
      tpu.wait_indirect_dma semaphore(%arg46 : memref<!tpu.dma_semaphore, #tpu.memory_space<semaphore_mem>>) src(%dma_wait3A_102 : memref<10016x16xf32, #tpu.memory_space<hbm>>) dst(%arg36 : memref<256x16xf32, #tpu.memory_space<vmem>>)
      %dma_wait3A_103 = arith.constant 0 : i32
      %dma_wait3A_104 = arith.constant 0 : i32
      %dma_wait3A_105 = tpu.memref_slice %arg15[%dma_wait3A_103, %dma_wait3A_104] : memref<10016x16xf32, #tpu.memory_space<hbm>> -> memref<10016x16xf32, #tpu.memory_space<hbm>>
      tpu.wait_indirect_dma semaphore(%arg46 : memref<!tpu.dma_semaphore, #tpu.memory_space<semaphore_mem>>) src(%dma_wait3A_105 : memref<10016x16xf32, #tpu.memory_space<hbm>>) dst(%arg37 : memref<256x16xf32, #tpu.memory_space<vmem>>)
      %dma_wait3A_106 = arith.constant 0 : i32
      %dma_wait3A_107 = arith.constant 0 : i32
      %dma_wait3A_108 = tpu.memref_slice %arg16[%dma_wait3A_106, %dma_wait3A_107] : memref<10016x16xf32, #tpu.memory_space<hbm>> -> memref<10016x16xf32, #tpu.memory_space<hbm>>
      tpu.wait_indirect_dma semaphore(%arg46 : memref<!tpu.dma_semaphore, #tpu.memory_space<semaphore_mem>>) src(%dma_wait3A_108 : memref<10016x16xf32, #tpu.memory_space<hbm>>) dst(%arg38 : memref<256x16xf32, #tpu.memory_space<vmem>>)
      %dma_wait3A_109 = arith.constant 0 : i32
      %dma_wait3A_110 = arith.constant 0 : i32
      %dma_wait3A_111 = tpu.memref_slice %arg17[%dma_wait3A_109, %dma_wait3A_110] : memref<10016x16xf32, #tpu.memory_space<hbm>> -> memref<10016x16xf32, #tpu.memory_space<hbm>>
      tpu.wait_indirect_dma semaphore(%arg46 : memref<!tpu.dma_semaphore, #tpu.memory_space<semaphore_mem>>) src(%dma_wait3A_111 : memref<10016x16xf32, #tpu.memory_space<hbm>>) dst(%arg39 : memref<256x16xf32, #tpu.memory_space<vmem>>)
      %dma_wait3A_112 = arith.constant 0 : i32
      %dma_wait3A_113 = arith.constant 0 : i32
      %dma_wait3A_114 = tpu.memref_slice %arg18[%dma_wait3A_112, %dma_wait3A_113] : memref<10016x16xf32, #tpu.memory_space<hbm>> -> memref<10016x16xf32, #tpu.memory_space<hbm>>
      tpu.wait_indirect_dma semaphore(%arg46 : memref<!tpu.dma_semaphore, #tpu.memory_space<semaphore_mem>>) src(%dma_wait3A_114 : memref<10016x16xf32, #tpu.memory_space<hbm>>) dst(%arg40 : memref<256x16xf32, #tpu.memory_space<vmem>>)
      %dma_wait3A_115 = arith.constant 0 : i32
      %dma_wait3A_116 = arith.constant 0 : i32
      %dma_wait3A_117 = tpu.memref_slice %arg19[%dma_wait3A_115, %dma_wait3A_116] : memref<10016x16xf32, #tpu.memory_space<hbm>> -> memref<10016x16xf32, #tpu.memory_space<hbm>>
      tpu.wait_indirect_dma semaphore(%arg46 : memref<!tpu.dma_semaphore, #tpu.memory_space<semaphore_mem>>) src(%dma_wait3A_117 : memref<10016x16xf32, #tpu.memory_space<hbm>>) dst(%arg41 : memref<256x16xf32, #tpu.memory_space<vmem>>)
      %dma_wait3A_118 = arith.constant 0 : i32
      %dma_wait3A_119 = arith.constant 0 : i32
      %dma_wait3A_120 = tpu.memref_slice %arg20[%dma_wait3A_118, %dma_wait3A_119] : memref<10016x16xf32, #tpu.memory_space<hbm>> -> memref<10016x16xf32, #tpu.memory_space<hbm>>
      tpu.wait_indirect_dma semaphore(%arg46 : memref<!tpu.dma_semaphore, #tpu.memory_space<semaphore_mem>>) src(%dma_wait3A_120 : memref<10016x16xf32, #tpu.memory_space<hbm>>) dst(%arg42 : memref<256x16xf32, #tpu.memory_space<vmem>>)
      %scan3A_121 = arith.constant 0 : i32
      %scan3A_122 = arith.constant 0 : i32
      %scan3A_123 = arith.constant 64 : i32
      %scan3A_124 = arith.addi %scan3A_122, %scan3A_123 : i32
      %scan3A_125 = arith.constant 1 : i32
      scf.for %scan3A_127 = %scan3A_122 to %scan3A_124 step %scan3A_125  : i32 {
        %mul3A_128 = arith.constant 4 : i32
        %mul3A_129 = arith.muli %scan3A_127, %mul3A_128 : i32
        %add3A_130 = arith.constant 0 : i32
        %add3A_131 = arith.addi %mul3A_129, %add3A_130 : i32
        %broadcast_in_dim3A = arith.constant 0.000000e+00 : f32
        %broadcast_in_dim3A_132 = vector.broadcast %broadcast_in_dim3A : f32 to vector<16xf32>
        %broadcast_in_dim3A_133 = arith.constant 0.000000e+00 : f32
        %broadcast_in_dim3A_134 = vector.broadcast %broadcast_in_dim3A_133 : f32 to vector<16xf32>
        %get3A = arith.index_cast %add3A_131 : i32 to index
        %get3A_135 = arith.constant 0 : index
        %get3A_136 = tpu.vector_load %arg27[%get3A, %get3A_135] {strides = array<i32>} : memref<256x16xf32, #tpu.memory_space<vmem>>, vector<16xf32>,
        %get3A_137 = arith.index_cast %add3A_131 : i32 to index
        %get3A_138 = arith.constant 0 : index
        %get3A_139 = tpu.vector_load %arg35[%get3A_137, %get3A_138] {strides = array<i32>} : memref<256x16xf32, #tpu.memory_space<vmem>>, vector<16xf32>,
        %add3A_140 = arith.addf %get3A_136, %get3A_139 : vector<16xf32>
        %ge3A = arith.constant 0.000000e+00 : f32
        %ge3A_141 = vector.broadcast %ge3A : f32 to vector<16xf32>
        %ge3A_142 = arith.cmpf oge, %add3A_140, %ge3A_141 : vector<16xf32>
        %mul3A_143 = arith.constant 2.000000e-01 : f32
        %mul3A_144 = vector.broadcast %mul3A_143 : f32 to vector<16xf32>
        %mul3A_145 = arith.mulf %mul3A_144, %add3A_140 : vector<16xf32>
        %select_n3A = arith.select %ge3A_142, %add3A_140, %mul3A_145 : vector<16xi1>, vector<16xf32>
        %get3A_146 = arith.constant 0 : index
        %get3A_147 = tpu.vector_load %arg44[%get3A_146] {strides = array<i32>} : memref<128xf32, #tpu.memory_space<vmem>>, vector<16xf32>,
        %mul3A_148 = arith.mulf %select_n3A, %get3A_147 : vector<16xf32>
        %add3A_149 = arith.addf %broadcast_in_dim3A_132, %mul3A_148 : vector<16xf32>
        %get3A_150 = arith.index_cast %add3A_131 : i32 to index
        %get3A_151 = arith.constant 0 : index
        %get3A_152 = tpu.vector_load %arg28[%get3A_150, %get3A_151] {strides = array<i32>} : memref<256x16xf32, #tpu.memory_space<vmem>>, vector<16xf32>,
        %get3A_153 = arith.index_cast %add3A_131 : i32 to index
        %get3A_154 = arith.constant 0 : index
        %get3A_155 = tpu.vector_load %arg36[%get3A_153, %get3A_154] {strides = array<i32>} : memref<256x16xf32, #tpu.memory_space<vmem>>, vector<16xf32>,
        %add3A_156 = arith.addf %get3A_152, %get3A_155 : vector<16xf32>
        %ge3A_157 = arith.constant 0.000000e+00 : f32
        %ge3A_158 = vector.broadcast %ge3A_157 : f32 to vector<16xf32>
        %ge3A_159 = arith.cmpf oge, %add3A_156, %ge3A_158 : vector<16xf32>
        %mul3A_160 = arith.constant 2.000000e-01 : f32
        %mul3A_161 = vector.broadcast %mul3A_160 : f32 to vector<16xf32>
        %mul3A_162 = arith.mulf %mul3A_161, %add3A_156 : vector<16xf32>
        %select_n3A_163 = arith.select %ge3A_159, %add3A_156, %mul3A_162 : vector<16xi1>, vector<16xf32>
        %get3A_164 = arith.constant 16 : index
        %get3A_165 = tpu.vector_load %arg44[%get3A_164] {strides = array<i32>} : memref<128xf32, #tpu.memory_space<vmem>>, vector<16xf32>,
        %mul3A_166 = arith.mulf %select_n3A_163, %get3A_165 : vector<16xf32>
        %add3A_167 = arith.addf %add3A_149, %mul3A_166 : vector<16xf32>
        %get3A_168 = arith.index_cast %add3A_131 : i32 to index
        %get3A_169 = arith.constant 0 : index
        %get3A_170 = tpu.vector_load %arg29[%get3A_168, %get3A_169] {strides = array<i32>} : memref<256x16xf32, #tpu.memory_space<vmem>>, vector<16xf32>,
        %get3A_171 = arith.index_cast %add3A_131 : i32 to index
        %get3A_172 = arith.constant 0 : index
        %get3A_173 = tpu.vector_load %arg37[%get3A_171, %get3A_172] {strides = array<i32>} : memref<256x16xf32, #tpu.memory_space<vmem>>, vector<16xf32>,
        %add3A_174 = arith.addf %get3A_170, %get3A_173 : vector<16xf32>
        %ge3A_175 = arith.constant 0.000000e+00 : f32
        %ge3A_176 = vector.broadcast %ge3A_175 : f32 to vector<16xf32>
        %ge3A_177 = arith.cmpf oge, %add3A_174, %ge3A_176 : vector<16xf32>
        %mul3A_178 = arith.constant 2.000000e-01 : f32
        %mul3A_179 = vector.broadcast %mul3A_178 : f32 to vector<16xf32>
        %mul3A_180 = arith.mulf %mul3A_179, %add3A_174 : vector<16xf32>
        %select_n3A_181 = arith.select %ge3A_177, %add3A_174, %mul3A_180 : vector<16xi1>, vector<16xf32>
        %get3A_182 = arith.constant 32 : index
        %get3A_183 = tpu.vector_load %arg44[%get3A_182] {strides = array<i32>} : memref<128xf32, #tpu.memory_space<vmem>>, vector<16xf32>,
        %mul3A_184 = arith.mulf %select_n3A_181, %get3A_183 : vector<16xf32>
        %add3A_185 = arith.addf %add3A_167, %mul3A_184 : vector<16xf32>
        %get3A_186 = arith.index_cast %add3A_131 : i32 to index
        %get3A_187 = arith.constant 0 : index
        %get3A_188 = tpu.vector_load %arg30[%get3A_186, %get3A_187] {strides = array<i32>} : memref<256x16xf32, #tpu.memory_space<vmem>>, vector<16xf32>,
        %get3A_189 = arith.index_cast %add3A_131 : i32 to index
        %get3A_190 = arith.constant 0 : index
        %get3A_191 = tpu.vector_load %arg38[%get3A_189, %get3A_190] {strides = array<i32>} : memref<256x16xf32, #tpu.memory_space<vmem>>, vector<16xf32>,
        %add3A_192 = arith.addf %get3A_188, %get3A_191 : vector<16xf32>
        %ge3A_193 = arith.constant 0.000000e+00 : f32
        %ge3A_194 = vector.broadcast %ge3A_193 : f32 to vector<16xf32>
        %ge3A_195 = arith.cmpf oge, %add3A_192, %ge3A_194 : vector<16xf32>
        %mul3A_196 = arith.constant 2.000000e-01 : f32
        %mul3A_197 = vector.broadcast %mul3A_196 : f32 to vector<16xf32>
        %mul3A_198 = arith.mulf %mul3A_197, %add3A_192 : vector<16xf32>
        %select_n3A_199 = arith.select %ge3A_195, %add3A_192, %mul3A_198 : vector<16xi1>, vector<16xf32>
        %get3A_200 = arith.constant 48 : index
        %get3A_201 = tpu.vector_load %arg44[%get3A_200] {strides = array<i32>} : memref<128xf32, #tpu.memory_space<vmem>>, vector<16xf32>,
        %mul3A_202 = arith.mulf %select_n3A_199, %get3A_201 : vector<16xf32>
        %add3A_203 = arith.addf %add3A_185, %mul3A_202 : vector<16xf32>
        %get3A_204 = arith.index_cast %add3A_131 : i32 to index
        %get3A_205 = arith.constant 0 : index
        %get3A_206 = tpu.vector_load %arg31[%get3A_204, %get3A_205] {strides = array<i32>} : memref<256x16xf32, #tpu.memory_space<vmem>>, vector<16xf32>,
        %get3A_207 = arith.index_cast %add3A_131 : i32 to index
        %get3A_208 = arith.constant 0 : index
        %get3A_209 = tpu.vector_load %arg39[%get3A_207, %get3A_208] {strides = array<i32>} : memref<256x16xf32, #tpu.memory_space<vmem>>, vector<16xf32>,
        %add3A_210 = arith.addf %get3A_206, %get3A_209 : vector<16xf32>
        %ge3A_211 = arith.constant 0.000000e+00 : f32
        %ge3A_212 = vector.broadcast %ge3A_211 : f32 to vector<16xf32>
        %ge3A_213 = arith.cmpf oge, %add3A_210, %ge3A_212 : vector<16xf32>
        %mul3A_214 = arith.constant 2.000000e-01 : f32
        %mul3A_215 = vector.broadcast %mul3A_214 : f32 to vector<16xf32>
        %mul3A_216 = arith.mulf %mul3A_215, %add3A_210 : vector<16xf32>
        %select_n3A_217 = arith.select %ge3A_213, %add3A_210, %mul3A_216 : vector<16xi1>, vector<16xf32>
        %get3A_218 = arith.constant 64 : index
        %get3A_219 = tpu.vector_load %arg44[%get3A_218] {strides = array<i32>} : memref<128xf32, #tpu.memory_space<vmem>>, vector<16xf32>,
        %mul3A_220 = arith.mulf %select_n3A_217, %get3A_219 : vector<16xf32>
        %add3A_221 = arith.addf %broadcast_in_dim3A_134, %mul3A_220 : vector<16xf32>
        %get3A_222 = arith.index_cast %add3A_131 : i32 to index
        %get3A_223 = arith.constant 0 : index
        %get3A_224 = tpu.vector_load %arg32[%get3A_222, %get3A_223] {strides = array<i32>} : memref<256x16xf32, #tpu.memory_space<vmem>>, vector<16xf32>,
        %get3A_225 = arith.index_cast %add3A_131 : i32 to index
        %get3A_226 = arith.constant 0 : index
        %get3A_227 = tpu.vector_load %arg40[%get3A_225, %get3A_226] {strides = array<i32>} : memref<256x16xf32, #tpu.memory_space<vmem>>, vector<16xf32>,
        %add3A_228 = arith.addf %get3A_224, %get3A_227 : vector<16xf32>
        %ge3A_229 = arith.constant 0.000000e+00 : f32
        %ge3A_230 = vector.broadcast %ge3A_229 : f32 to vector<16xf32>
        %ge3A_231 = arith.cmpf oge, %add3A_228, %ge3A_230 : vector<16xf32>
        %mul3A_232 = arith.constant 2.000000e-01 : f32
        %mul3A_233 = vector.broadcast %mul3A_232 : f32 to vector<16xf32>
        %mul3A_234 = arith.mulf %mul3A_233, %add3A_228 : vector<16xf32>
        %select_n3A_235 = arith.select %ge3A_231, %add3A_228, %mul3A_234 : vector<16xi1>, vector<16xf32>
        %get3A_236 = arith.constant 80 : index
        %get3A_237 = tpu.vector_load %arg44[%get3A_236] {strides = array<i32>} : memref<128xf32, #tpu.memory_space<vmem>>, vector<16xf32>,
        %mul3A_238 = arith.mulf %select_n3A_235, %get3A_237 : vector<16xf32>
        %add3A_239 = arith.addf %add3A_221, %mul3A_238 : vector<16xf32>
        %get3A_240 = arith.index_cast %add3A_131 : i32 to index
        %get3A_241 = arith.constant 0 : index
        %get3A_242 = tpu.vector_load %arg33[%get3A_240, %get3A_241] {strides = array<i32>} : memref<256x16xf32, #tpu.memory_space<vmem>>, vector<16xf32>,
        %get3A_243 = arith.index_cast %add3A_131 : i32 to index
        %get3A_244 = arith.constant 0 : index
        %get3A_245 = tpu.vector_load %arg41[%get3A_243, %get3A_244] {strides = array<i32>} : memref<256x16xf32, #tpu.memory_space<vmem>>, vector<16xf32>,
        %add3A_246 = arith.addf %get3A_242, %get3A_245 : vector<16xf32>
        %ge3A_247 = arith.constant 0.000000e+00 : f32
        %ge3A_248 = vector.broadcast %ge3A_247 : f32 to vector<16xf32>
        %ge3A_249 = arith.cmpf oge, %add3A_246, %ge3A_248 : vector<16xf32>
        %mul3A_250 = arith.constant 2.000000e-01 : f32
        %mul3A_251 = vector.broadcast %mul3A_250 : f32 to vector<16xf32>
        %mul3A_252 = arith.mulf %mul3A_251, %add3A_246 : vector<16xf32>
        %select_n3A_253 = arith.select %ge3A_249, %add3A_246, %mul3A_252 : vector<16xi1>, vector<16xf32>
        %get3A_254 = arith.constant 96 : index
        %get3A_255 = tpu.vector_load %arg44[%get3A_254] {strides = array<i32>} : memref<128xf32, #tpu.memory_space<vmem>>, vector<16xf32>,
        %mul3A_256 = arith.mulf %select_n3A_253, %get3A_255 : vector<16xf32>
        %add3A_257 = arith.addf %add3A_239, %mul3A_256 : vector<16xf32>
        %get3A_258 = arith.index_cast %add3A_131 : i32 to index
        %get3A_259 = arith.constant 0 : index
        %get3A_260 = tpu.vector_load %arg34[%get3A_258, %get3A_259] {strides = array<i32>} : memref<256x16xf32, #tpu.memory_space<vmem>>, vector<16xf32>,
        %get3A_261 = arith.index_cast %add3A_131 : i32 to index
        %get3A_262 = arith.constant 0 : index
        %get3A_263 = tpu.vector_load %arg42[%get3A_261, %get3A_262] {strides = array<i32>} : memref<256x16xf32, #tpu.memory_space<vmem>>, vector<16xf32>,
        %add3A_264 = arith.addf %get3A_260, %get3A_263 : vector<16xf32>
        %ge3A_265 = arith.constant 0.000000e+00 : f32
        %ge3A_266 = vector.broadcast %ge3A_265 : f32 to vector<16xf32>
        %ge3A_267 = arith.cmpf oge, %add3A_264, %ge3A_266 : vector<16xf32>
        %mul3A_268 = arith.constant 2.000000e-01 : f32
        %mul3A_269 = vector.broadcast %mul3A_268 : f32 to vector<16xf32>
        %mul3A_270 = arith.mulf %mul3A_269, %add3A_264 : vector<16xf32>
        %select_n3A_271 = arith.select %ge3A_267, %add3A_264, %mul3A_270 : vector<16xi1>, vector<16xf32>
        %get3A_272 = arith.constant 112 : index
        %get3A_273 = tpu.vector_load %arg44[%get3A_272] {strides = array<i32>} : memref<128xf32, #tpu.memory_space<vmem>>, vector<16xf32>,
        %mul3A_274 = arith.mulf %select_n3A_271, %get3A_273 : vector<16xf32>
        %add3A_275 = arith.addf %add3A_257, %mul3A_274 : vector<16xf32>
        %reduce_sum3A = arith.constant true
        %reduce_sum3A_276 = vector.broadcast %reduce_sum3A : i1 to vector<16xi1>
        %reduce_sum3A_277 = tpu.scan <sum>, %add3A_203 masked %reduce_sum3A_276 : vector<16xf32>, vector<16xi1> -> vector<16xf32>
        %reduce_sum3A_278 = vector.extract %reduce_sum3A_277[15] : f32 from vector<16xf32>
        %reduce_sum3A_279 = arith.constant true
        %reduce_sum3A_280 = vector.broadcast %reduce_sum3A_279 : i1 to vector<16xi1>
        %reduce_sum3A_281 = tpu.scan <sum>, %add3A_275 masked %reduce_sum3A_280 : vector<16xf32>, vector<16xi1> -> vector<16xf32>
        %reduce_sum3A_282 = vector.extract %reduce_sum3A_281[15] : f32 from vector<16xf32>
        %eq3A_283 = arith.constant 0 : i32
        %eq3A_284 = vector.broadcast %eq3A_283 : i32 to vector<16xi32>
        %eq3A_285 = arith.cmpi eq, %iota3A, %eq3A_284 : vector<16xi32>
        %eq3A_286 = arith.constant 1 : i32
        %eq3A_287 = vector.broadcast %eq3A_286 : i32 to vector<16xi32>
        %eq3A_288 = arith.cmpi eq, %iota3A, %eq3A_287 : vector<16xi32>
        %jit3A = arith.constant 0.000000e+00 : f32
        %broadcast_in_dim3A_289 = vector.broadcast %reduce_sum3A_282 : f32 to vector<16xf32>
        %broadcast_in_dim3A_290 = vector.broadcast %jit3A : f32 to vector<16xf32>
        %select_n3A_291 = arith.select %eq3A_288, %broadcast_in_dim3A_289, %broadcast_in_dim3A_290 : vector<16xi1>, vector<16xf32>
        %broadcast_in_dim3A_292 = vector.broadcast %reduce_sum3A_278 : f32 to vector<16xf32>
        %select_n3A_293 = arith.select %eq3A_285, %broadcast_in_dim3A_292, %select_n3A_291 : vector<16xi1>, vector<16xf32>
        %exp3A = math.exp %select_n3A_293 : vector<16xf32>
        %lt3A = arith.constant 2 : i32
        %lt3A_294 = vector.broadcast %lt3A : i32 to vector<16xi32>
        %lt3A_295 = arith.cmpi slt, %iota3A, %lt3A_294 : vector<16xi32>
        %eq3A_296 = arith.constant 2 : i32
        %eq3A_297 = vector.broadcast %eq3A_296 : i32 to vector<16xi32>
        %eq3A_298 = arith.cmpi eq, %iota3A, %eq3A_297 : vector<16xi32>
        %jit3A_299 = arith.constant 1.000000e+00 : f32
        %jit3A_300 = arith.constant 0.000000e+00 : f32
        %broadcast_in_dim3A_301 = vector.broadcast %jit3A_299 : f32 to vector<16xf32>
        %broadcast_in_dim3A_302 = vector.broadcast %jit3A_300 : f32 to vector<16xf32>
        %select_n3A_303 = arith.select %eq3A_298, %broadcast_in_dim3A_301, %broadcast_in_dim3A_302 : vector<16xi1>, vector<16xf32>
        %select_n3A_304 = arith.select %lt3A_295, %exp3A, %select_n3A_303 : vector<16xi1>, vector<16xf32>
        %swap3A = arith.index_cast %add3A_131 : i32 to index
        %swap3A_305 = arith.constant 0 : index
        %swap3A_306 = tpu.vector_load %arg43[%swap3A, %swap3A_305] {strides = array<i32>} : memref<256x16xf32, #tpu.memory_space<vmem>>, vector<16xf32>,
        tpu.vector_store %arg43[%swap3A, %swap3A_305], %select_n3A_304 {strides = array<i32>} : memref<256x16xf32, #tpu.memory_space<vmem>>, vector<16xf32>,
        %mul3A_307 = arith.constant 4 : i32
        %mul3A_308 = arith.muli %scan3A_127, %mul3A_307 : i32
        %add3A_309 = arith.constant 1 : i32
        %add3A_310 = arith.addi %mul3A_308, %add3A_309 : i32
        %broadcast_in_dim3A_311 = arith.constant 0.000000e+00 : f32
        %broadcast_in_dim3A_312 = vector.broadcast %broadcast_in_dim3A_311 : f32 to vector<16xf32>
        %broadcast_in_dim3A_313 = arith.constant 0.000000e+00 : f32
        %broadcast_in_dim3A_314 = vector.broadcast %broadcast_in_dim3A_313 : f32 to vector<16xf32>
        %get3A_315 = arith.index_cast %add3A_310 : i32 to index
        %get3A_316 = arith.constant 0 : index
        %get3A_317 = tpu.vector_load %arg27[%get3A_315, %get3A_316] {strides = array<i32>} : memref<256x16xf32, #tpu.memory_space<vmem>>, vector<16xf32>,
        %get3A_318 = arith.index_cast %add3A_310 : i32 to index
        %get3A_319 = arith.constant 0 : index
        %get3A_320 = tpu.vector_load %arg35[%get3A_318, %get3A_319] {strides = array<i32>} : memref<256x16xf32, #tpu.memory_space<vmem>>, vector<16xf32>,
        %add3A_321 = arith.addf %get3A_317, %get3A_320 : vector<16xf32>
        %ge3A_322 = arith.constant 0.000000e+00 : f32
        %ge3A_323 = vector.broadcast %ge3A_322 : f32 to vector<16xf32>
        %ge3A_324 = arith.cmpf oge, %add3A_321, %ge3A_323 : vector<16xf32>
        %mul3A_325 = arith.constant 2.000000e-01 : f32
        %mul3A_326 = vector.broadcast %mul3A_325 : f32 to vector<16xf32>
        %mul3A_327 = arith.mulf %mul3A_326, %add3A_321 : vector<16xf32>
        %select_n3A_328 = arith.select %ge3A_324, %add3A_321, %mul3A_327 : vector<16xi1>, vector<16xf32>
        %get3A_329 = arith.constant 0 : index
        %get3A_330 = tpu.vector_load %arg44[%get3A_329] {strides = array<i32>} : memref<128xf32, #tpu.memory_space<vmem>>, vector<16xf32>,
        %mul3A_331 = arith.mulf %select_n3A_328, %get3A_330 : vector<16xf32>
        %add3A_332 = arith.addf %broadcast_in_dim3A_312, %mul3A_331 : vector<16xf32>
        %get3A_333 = arith.index_cast %add3A_310 : i32 to index
        %get3A_334 = arith.constant 0 : index
        %get3A_335 = tpu.vector_load %arg28[%get3A_333, %get3A_334] {strides = array<i32>} : memref<256x16xf32, #tpu.memory_space<vmem>>, vector<16xf32>,
        %get3A_336 = arith.index_cast %add3A_310 : i32 to index
        %get3A_337 = arith.constant 0 : index
        %get3A_338 = tpu.vector_load %arg36[%get3A_336, %get3A_337] {strides = array<i32>} : memref<256x16xf32, #tpu.memory_space<vmem>>, vector<16xf32>,
        %add3A_339 = arith.addf %get3A_335, %get3A_338 : vector<16xf32>
        %ge3A_340 = arith.constant 0.000000e+00 : f32
        %ge3A_341 = vector.broadcast %ge3A_340 : f32 to vector<16xf32>
        %ge3A_342 = arith.cmpf oge, %add3A_339, %ge3A_341 : vector<16xf32>
        %mul3A_343 = arith.constant 2.000000e-01 : f32
        %mul3A_344 = vector.broadcast %mul3A_343 : f32 to vector<16xf32>
        %mul3A_345 = arith.mulf %mul3A_344, %add3A_339 : vector<16xf32>
        %select_n3A_346 = arith.select %ge3A_342, %add3A_339, %mul3A_345 : vector<16xi1>, vector<16xf32>
        %get3A_347 = arith.constant 16 : index
        %get3A_348 = tpu.vector_load %arg44[%get3A_347] {strides = array<i32>} : memref<128xf32, #tpu.memory_space<vmem>>, vector<16xf32>,
        %mul3A_349 = arith.mulf %select_n3A_346, %get3A_348 : vector<16xf32>
        %add3A_350 = arith.addf %add3A_332, %mul3A_349 : vector<16xf32>
        %get3A_351 = arith.index_cast %add3A_310 : i32 to index
        %get3A_352 = arith.constant 0 : index
        %get3A_353 = tpu.vector_load %arg29[%get3A_351, %get3A_352] {strides = array<i32>} : memref<256x16xf32, #tpu.memory_space<vmem>>, vector<16xf32>,
        %get3A_354 = arith.index_cast %add3A_310 : i32 to index
        %get3A_355 = arith.constant 0 : index
        %get3A_356 = tpu.vector_load %arg37[%get3A_354, %get3A_355] {strides = array<i32>} : memref<256x16xf32, #tpu.memory_space<vmem>>, vector<16xf32>,
        %add3A_357 = arith.addf %get3A_353, %get3A_356 : vector<16xf32>
        %ge3A_358 = arith.constant 0.000000e+00 : f32
        %ge3A_359 = vector.broadcast %ge3A_358 : f32 to vector<16xf32>
        %ge3A_360 = arith.cmpf oge, %add3A_357, %ge3A_359 : vector<16xf32>
        %mul3A_361 = arith.constant 2.000000e-01 : f32
        %mul3A_362 = vector.broadcast %mul3A_361 : f32 to vector<16xf32>
        %mul3A_363 = arith.mulf %mul3A_362, %add3A_357 : vector<16xf32>
        %select_n3A_364 = arith.select %ge3A_360, %add3A_357, %mul3A_363 : vector<16xi1>, vector<16xf32>
        %get3A_365 = arith.constant 32 : index
        %get3A_366 = tpu.vector_load %arg44[%get3A_365] {strides = array<i32>} : memref<128xf32, #tpu.memory_space<vmem>>, vector<16xf32>,
        %mul3A_367 = arith.mulf %select_n3A_364, %get3A_366 : vector<16xf32>
        %add3A_368 = arith.addf %add3A_350, %mul3A_367 : vector<16xf32>
        %get3A_369 = arith.index_cast %add3A_310 : i32 to index
        %get3A_370 = arith.constant 0 : index
        %get3A_371 = tpu.vector_load %arg30[%get3A_369, %get3A_370] {strides = array<i32>} : memref<256x16xf32, #tpu.memory_space<vmem>>, vector<16xf32>,
        %get3A_372 = arith.index_cast %add3A_310 : i32 to index
        %get3A_373 = arith.constant 0 : index
        %get3A_374 = tpu.vector_load %arg38[%get3A_372, %get3A_373] {strides = array<i32>} : memref<256x16xf32, #tpu.memory_space<vmem>>, vector<16xf32>,
        %add3A_375 = arith.addf %get3A_371, %get3A_374 : vector<16xf32>
        %ge3A_376 = arith.constant 0.000000e+00 : f32
        %ge3A_377 = vector.broadcast %ge3A_376 : f32 to vector<16xf32>
        %ge3A_378 = arith.cmpf oge, %add3A_375, %ge3A_377 : vector<16xf32>
        %mul3A_379 = arith.constant 2.000000e-01 : f32
        %mul3A_380 = vector.broadcast %mul3A_379 : f32 to vector<16xf32>
        %mul3A_381 = arith.mulf %mul3A_380, %add3A_375 : vector<16xf32>
        %select_n3A_382 = arith.select %ge3A_378, %add3A_375, %mul3A_381 : vector<16xi1>, vector<16xf32>
        %get3A_383 = arith.constant 48 : index
        %get3A_384 = tpu.vector_load %arg44[%get3A_383] {strides = array<i32>} : memref<128xf32, #tpu.memory_space<vmem>>, vector<16xf32>,
        %mul3A_385 = arith.mulf %select_n3A_382, %get3A_384 : vector<16xf32>
        %add3A_386 = arith.addf %add3A_368, %mul3A_385 : vector<16xf32>
        %get3A_387 = arith.index_cast %add3A_310 : i32 to index
        %get3A_388 = arith.constant 0 : index
        %get3A_389 = tpu.vector_load %arg31[%get3A_387, %get3A_388] {strides = array<i32>} : memref<256x16xf32, #tpu.memory_space<vmem>>, vector<16xf32>,
        %get3A_390 = arith.index_cast %add3A_310 : i32 to index
        %get3A_391 = arith.constant 0 : index
        %get3A_392 = tpu.vector_load %arg39[%get3A_390, %get3A_391] {strides = array<i32>} : memref<256x16xf32, #tpu.memory_space<vmem>>, vector<16xf32>,
        %add3A_393 = arith.addf %get3A_389, %get3A_392 : vector<16xf32>
        %ge3A_394 = arith.constant 0.000000e+00 : f32
        %ge3A_395 = vector.broadcast %ge3A_394 : f32 to vector<16xf32>
        %ge3A_396 = arith.cmpf oge, %add3A_393, %ge3A_395 : vector<16xf32>
        %mul3A_397 = arith.constant 2.000000e-01 : f32
        %mul3A_398 = vector.broadcast %mul3A_397 : f32 to vector<16xf32>
        %mul3A_399 = arith.mulf %mul3A_398, %add3A_393 : vector<16xf32>
        %select_n3A_400 = arith.select %ge3A_396, %add3A_393, %mul3A_399 : vector<16xi1>, vector<16xf32>
        %get3A_401 = arith.constant 64 : index
        %get3A_402 = tpu.vector_load %arg44[%get3A_401] {strides = array<i32>} : memref<128xf32, #tpu.memory_space<vmem>>, vector<16xf32>,
        %mul3A_403 = arith.mulf %select_n3A_400, %get3A_402 : vector<16xf32>
        %add3A_404 = arith.addf %broadcast_in_dim3A_314, %mul3A_403 : vector<16xf32>
        %get3A_405 = arith.index_cast %add3A_310 : i32 to index
        %get3A_406 = arith.constant 0 : index
        %get3A_407 = tpu.vector_load %arg32[%get3A_405, %get3A_406] {strides = array<i32>} : memref<256x16xf32, #tpu.memory_space<vmem>>, vector<16xf32>,
        %get3A_408 = arith.index_cast %add3A_310 : i32 to index
        %get3A_409 = arith.constant 0 : index
        %get3A_410 = tpu.vector_load %arg40[%get3A_408, %get3A_409] {strides = array<i32>} : memref<256x16xf32, #tpu.memory_space<vmem>>, vector<16xf32>,
        %add3A_411 = arith.addf %get3A_407, %get3A_410 : vector<16xf32>
        %ge3A_412 = arith.constant 0.000000e+00 : f32
        %ge3A_413 = vector.broadcast %ge3A_412 : f32 to vector<16xf32>
        %ge3A_414 = arith.cmpf oge, %add3A_411, %ge3A_413 : vector<16xf32>
        %mul3A_415 = arith.constant 2.000000e-01 : f32
        %mul3A_416 = vector.broadcast %mul3A_415 : f32 to vector<16xf32>
        %mul3A_417 = arith.mulf %mul3A_416, %add3A_411 : vector<16xf32>
        %select_n3A_418 = arith.select %ge3A_414, %add3A_411, %mul3A_417 : vector<16xi1>, vector<16xf32>
        %get3A_419 = arith.constant 80 : index
        %get3A_420 = tpu.vector_load %arg44[%get3A_419] {strides = array<i32>} : memref<128xf32, #tpu.memory_space<vmem>>, vector<16xf32>,
        %mul3A_421 = arith.mulf %select_n3A_418, %get3A_420 : vector<16xf32>
        %add3A_422 = arith.addf %add3A_404, %mul3A_421 : vector<16xf32>
        %get3A_423 = arith.index_cast %add3A_310 : i32 to index
        %get3A_424 = arith.constant 0 : index
        %get3A_425 = tpu.vector_load %arg33[%get3A_423, %get3A_424] {strides = array<i32>} : memref<256x16xf32, #tpu.memory_space<vmem>>, vector<16xf32>,
        %get3A_426 = arith.index_cast %add3A_310 : i32 to index
        %get3A_427 = arith.constant 0 : index
        %get3A_428 = tpu.vector_load %arg41[%get3A_426, %get3A_427] {strides = array<i32>} : memref<256x16xf32, #tpu.memory_space<vmem>>, vector<16xf32>,
        %add3A_429 = arith.addf %get3A_425, %get3A_428 : vector<16xf32>
        %ge3A_430 = arith.constant 0.000000e+00 : f32
        %ge3A_431 = vector.broadcast %ge3A_430 : f32 to vector<16xf32>
        %ge3A_432 = arith.cmpf oge, %add3A_429, %ge3A_431 : vector<16xf32>
        %mul3A_433 = arith.constant 2.000000e-01 : f32
        %mul3A_434 = vector.broadcast %mul3A_433 : f32 to vector<16xf32>
        %mul3A_435 = arith.mulf %mul3A_434, %add3A_429 : vector<16xf32>
        %select_n3A_436 = arith.select %ge3A_432, %add3A_429, %mul3A_435 : vector<16xi1>, vector<16xf32>
        %get3A_437 = arith.constant 96 : index
        %get3A_438 = tpu.vector_load %arg44[%get3A_437] {strides = array<i32>} : memref<128xf32, #tpu.memory_space<vmem>>, vector<16xf32>,
        %mul3A_439 = arith.mulf %select_n3A_436, %get3A_438 : vector<16xf32>
        %add3A_440 = arith.addf %add3A_422, %mul3A_439 : vector<16xf32>
        %get3A_441 = arith.index_cast %add3A_310 : i32 to index
        %get3A_442 = arith.constant 0 : index
        %get3A_443 = tpu.vector_load %arg34[%get3A_441, %get3A_442] {strides = array<i32>} : memref<256x16xf32, #tpu.memory_space<vmem>>, vector<16xf32>,
        %get3A_444 = arith.index_cast %add3A_310 : i32 to index
        %get3A_445 = arith.constant 0 : index
        %get3A_446 = tpu.vector_load %arg42[%get3A_444, %get3A_445] {strides = array<i32>} : memref<256x16xf32, #tpu.memory_space<vmem>>, vector<16xf32>,
        %add3A_447 = arith.addf %get3A_443, %get3A_446 : vector<16xf32>
        %ge3A_448 = arith.constant 0.000000e+00 : f32
        %ge3A_449 = vector.broadcast %ge3A_448 : f32 to vector<16xf32>
        %ge3A_450 = arith.cmpf oge, %add3A_447, %ge3A_449 : vector<16xf32>
        %mul3A_451 = arith.constant 2.000000e-01 : f32
        %mul3A_452 = vector.broadcast %mul3A_451 : f32 to vector<16xf32>
        %mul3A_453 = arith.mulf %mul3A_452, %add3A_447 : vector<16xf32>
        %select_n3A_454 = arith.select %ge3A_450, %add3A_447, %mul3A_453 : vector<16xi1>, vector<16xf32>
        %get3A_455 = arith.constant 112 : index
        %get3A_456 = tpu.vector_load %arg44[%get3A_455] {strides = array<i32>} : memref<128xf32, #tpu.memory_space<vmem>>, vector<16xf32>,
        %mul3A_457 = arith.mulf %select_n3A_454, %get3A_456 : vector<16xf32>
        %add3A_458 = arith.addf %add3A_440, %mul3A_457 : vector<16xf32>
        %reduce_sum3A_459 = arith.constant true
        %reduce_sum3A_460 = vector.broadcast %reduce_sum3A_459 : i1 to vector<16xi1>
        %reduce_sum3A_461 = tpu.scan <sum>, %add3A_386 masked %reduce_sum3A_460 : vector<16xf32>, vector<16xi1> -> vector<16xf32>
        %reduce_sum3A_462 = vector.extract %reduce_sum3A_461[15] : f32 from vector<16xf32>
        %reduce_sum3A_463 = arith.constant true
        %reduce_sum3A_464 = vector.broadcast %reduce_sum3A_463 : i1 to vector<16xi1>
        %reduce_sum3A_465 = tpu.scan <sum>, %add3A_458 masked %reduce_sum3A_464 : vector<16xf32>, vector<16xi1> -> vector<16xf32>
        %reduce_sum3A_466 = vector.extract %reduce_sum3A_465[15] : f32 from vector<16xf32>
        %eq3A_467 = arith.constant 0 : i32
        %eq3A_468 = vector.broadcast %eq3A_467 : i32 to vector<16xi32>
        %eq3A_469 = arith.cmpi eq, %iota3A, %eq3A_468 : vector<16xi32>
        %eq3A_470 = arith.constant 1 : i32
        %eq3A_471 = vector.broadcast %eq3A_470 : i32 to vector<16xi32>
        %eq3A_472 = arith.cmpi eq, %iota3A, %eq3A_471 : vector<16xi32>
        %jit3A_473 = arith.constant 0.000000e+00 : f32
        %broadcast_in_dim3A_474 = vector.broadcast %reduce_sum3A_466 : f32 to vector<16xf32>
        %broadcast_in_dim3A_475 = vector.broadcast %jit3A_473 : f32 to vector<16xf32>
        %select_n3A_476 = arith.select %eq3A_472, %broadcast_in_dim3A_474, %broadcast_in_dim3A_475 : vector<16xi1>, vector<16xf32>
        %broadcast_in_dim3A_477 = vector.broadcast %reduce_sum3A_462 : f32 to vector<16xf32>
        %select_n3A_478 = arith.select %eq3A_469, %broadcast_in_dim3A_477, %select_n3A_476 : vector<16xi1>, vector<16xf32>
        %exp3A_479 = math.exp %select_n3A_478 : vector<16xf32>
        %lt3A_480 = arith.constant 2 : i32
        %lt3A_481 = vector.broadcast %lt3A_480 : i32 to vector<16xi32>
        %lt3A_482 = arith.cmpi slt, %iota3A, %lt3A_481 : vector<16xi32>
        %eq3A_483 = arith.constant 2 : i32
        %eq3A_484 = vector.broadcast %eq3A_483 : i32 to vector<16xi32>
        %eq3A_485 = arith.cmpi eq, %iota3A, %eq3A_484 : vector<16xi32>
        %jit3A_486 = arith.constant 1.000000e+00 : f32
        %jit3A_487 = arith.constant 0.000000e+00 : f32
        %broadcast_in_dim3A_488 = vector.broadcast %jit3A_486 : f32 to vector<16xf32>
        %broadcast_in_dim3A_489 = vector.broadcast %jit3A_487 : f32 to vector<16xf32>
        %select_n3A_490 = arith.select %eq3A_485, %broadcast_in_dim3A_488, %broadcast_in_dim3A_489 : vector<16xi1>, vector<16xf32>
        %select_n3A_491 = arith.select %lt3A_482, %exp3A_479, %select_n3A_490 : vector<16xi1>, vector<16xf32>
        %swap3A_492 = arith.index_cast %add3A_310 : i32 to index
        %swap3A_493 = arith.constant 0 : index
        %swap3A_494 = tpu.vector_load %arg43[%swap3A_492, %swap3A_493] {strides = array<i32>} : memref<256x16xf32, #tpu.memory_space<vmem>>, vector<16xf32>,
        tpu.vector_store %arg43[%swap3A_492, %swap3A_493], %select_n3A_491 {strides = array<i32>} : memref<256x16xf32, #tpu.memory_space<vmem>>, vector<16xf32>,
        %mul3A_495 = arith.constant 4 : i32
        %mul3A_496 = arith.muli %scan3A_127, %mul3A_495 : i32
        %add3A_497 = arith.constant 2 : i32
        %add3A_498 = arith.addi %mul3A_496, %add3A_497 : i32
        %broadcast_in_dim3A_499 = arith.constant 0.000000e+00 : f32
        %broadcast_in_dim3A_500 = vector.broadcast %broadcast_in_dim3A_499 : f32 to vector<16xf32>
        %broadcast_in_dim3A_501 = arith.constant 0.000000e+00 : f32
        %broadcast_in_dim3A_502 = vector.broadcast %broadcast_in_dim3A_501 : f32 to vector<16xf32>
        %get3A_503 = arith.index_cast %add3A_498 : i32 to index
        %get3A_504 = arith.constant 0 : index
        %get3A_505 = tpu.vector_load %arg27[%get3A_503, %get3A_504] {strides = array<i32>} : memref<256x16xf32, #tpu.memory_space<vmem>>, vector<16xf32>,
        %get3A_506 = arith.index_cast %add3A_498 : i32 to index
        %get3A_507 = arith.constant 0 : index
        %get3A_508 = tpu.vector_load %arg35[%get3A_506, %get3A_507] {strides = array<i32>} : memref<256x16xf32, #tpu.memory_space<vmem>>, vector<16xf32>,
        %add3A_509 = arith.addf %get3A_505, %get3A_508 : vector<16xf32>
        %ge3A_510 = arith.constant 0.000000e+00 : f32
        %ge3A_511 = vector.broadcast %ge3A_510 : f32 to vector<16xf32>
        %ge3A_512 = arith.cmpf oge, %add3A_509, %ge3A_511 : vector<16xf32>
        %mul3A_513 = arith.constant 2.000000e-01 : f32
        %mul3A_514 = vector.broadcast %mul3A_513 : f32 to vector<16xf32>
        %mul3A_515 = arith.mulf %mul3A_514, %add3A_509 : vector<16xf32>
        %select_n3A_516 = arith.select %ge3A_512, %add3A_509, %mul3A_515 : vector<16xi1>, vector<16xf32>
        %get3A_517 = arith.constant 0 : index
        %get3A_518 = tpu.vector_load %arg44[%get3A_517] {strides = array<i32>} : memref<128xf32, #tpu.memory_space<vmem>>, vector<16xf32>,
        %mul3A_519 = arith.mulf %select_n3A_516, %get3A_518 : vector<16xf32>
        %add3A_520 = arith.addf %broadcast_in_dim3A_500, %mul3A_519 : vector<16xf32>
        %get3A_521 = arith.index_cast %add3A_498 : i32 to index
        %get3A_522 = arith.constant 0 : index
        %get3A_523 = tpu.vector_load %arg28[%get3A_521, %get3A_522] {strides = array<i32>} : memref<256x16xf32, #tpu.memory_space<vmem>>, vector<16xf32>,
        %get3A_524 = arith.index_cast %add3A_498 : i32 to index
        %get3A_525 = arith.constant 0 : index
        %get3A_526 = tpu.vector_load %arg36[%get3A_524, %get3A_525] {strides = array<i32>} : memref<256x16xf32, #tpu.memory_space<vmem>>, vector<16xf32>,
        %add3A_527 = arith.addf %get3A_523, %get3A_526 : vector<16xf32>
        %ge3A_528 = arith.constant 0.000000e+00 : f32
        %ge3A_529 = vector.broadcast %ge3A_528 : f32 to vector<16xf32>
        %ge3A_530 = arith.cmpf oge, %add3A_527, %ge3A_529 : vector<16xf32>
        %mul3A_531 = arith.constant 2.000000e-01 : f32
        %mul3A_532 = vector.broadcast %mul3A_531 : f32 to vector<16xf32>
        %mul3A_533 = arith.mulf %mul3A_532, %add3A_527 : vector<16xf32>
        %select_n3A_534 = arith.select %ge3A_530, %add3A_527, %mul3A_533 : vector<16xi1>, vector<16xf32>
        %get3A_535 = arith.constant 16 : index
        %get3A_536 = tpu.vector_load %arg44[%get3A_535] {strides = array<i32>} : memref<128xf32, #tpu.memory_space<vmem>>, vector<16xf32>,
        %mul3A_537 = arith.mulf %select_n3A_534, %get3A_536 : vector<16xf32>
        %add3A_538 = arith.addf %add3A_520, %mul3A_537 : vector<16xf32>
        %get3A_539 = arith.index_cast %add3A_498 : i32 to index
        %get3A_540 = arith.constant 0 : index
        %get3A_541 = tpu.vector_load %arg29[%get3A_539, %get3A_540] {strides = array<i32>} : memref<256x16xf32, #tpu.memory_space<vmem>>, vector<16xf32>,
        %get3A_542 = arith.index_cast %add3A_498 : i32 to index
        %get3A_543 = arith.constant 0 : index
        %get3A_544 = tpu.vector_load %arg37[%get3A_542, %get3A_543] {strides = array<i32>} : memref<256x16xf32, #tpu.memory_space<vmem>>, vector<16xf32>,
        %add3A_545 = arith.addf %get3A_541, %get3A_544 : vector<16xf32>
        %ge3A_546 = arith.constant 0.000000e+00 : f32
        %ge3A_547 = vector.broadcast %ge3A_546 : f32 to vector<16xf32>
        %ge3A_548 = arith.cmpf oge, %add3A_545, %ge3A_547 : vector<16xf32>
        %mul3A_549 = arith.constant 2.000000e-01 : f32
        %mul3A_550 = vector.broadcast %mul3A_549 : f32 to vector<16xf32>
        %mul3A_551 = arith.mulf %mul3A_550, %add3A_545 : vector<16xf32>
        %select_n3A_552 = arith.select %ge3A_548, %add3A_545, %mul3A_551 : vector<16xi1>, vector<16xf32>
        %get3A_553 = arith.constant 32 : index
        %get3A_554 = tpu.vector_load %arg44[%get3A_553] {strides = array<i32>} : memref<128xf32, #tpu.memory_space<vmem>>, vector<16xf32>,
        %mul3A_555 = arith.mulf %select_n3A_552, %get3A_554 : vector<16xf32>
        %add3A_556 = arith.addf %add3A_538, %mul3A_555 : vector<16xf32>
        %get3A_557 = arith.index_cast %add3A_498 : i32 to index
        %get3A_558 = arith.constant 0 : index
        %get3A_559 = tpu.vector_load %arg30[%get3A_557, %get3A_558] {strides = array<i32>} : memref<256x16xf32, #tpu.memory_space<vmem>>, vector<16xf32>,
        %get3A_560 = arith.index_cast %add3A_498 : i32 to index
        %get3A_561 = arith.constant 0 : index
        %get3A_562 = tpu.vector_load %arg38[%get3A_560, %get3A_561] {strides = array<i32>} : memref<256x16xf32, #tpu.memory_space<vmem>>, vector<16xf32>,
        %add3A_563 = arith.addf %get3A_559, %get3A_562 : vector<16xf32>
        %ge3A_564 = arith.constant 0.000000e+00 : f32
        %ge3A_565 = vector.broadcast %ge3A_564 : f32 to vector<16xf32>
        %ge3A_566 = arith.cmpf oge, %add3A_563, %ge3A_565 : vector<16xf32>
        %mul3A_567 = arith.constant 2.000000e-01 : f32
        %mul3A_568 = vector.broadcast %mul3A_567 : f32 to vector<16xf32>
        %mul3A_569 = arith.mulf %mul3A_568, %add3A_563 : vector<16xf32>
        %select_n3A_570 = arith.select %ge3A_566, %add3A_563, %mul3A_569 : vector<16xi1>, vector<16xf32>
        %get3A_571 = arith.constant 48 : index
        %get3A_572 = tpu.vector_load %arg44[%get3A_571] {strides = array<i32>} : memref<128xf32, #tpu.memory_space<vmem>>, vector<16xf32>,
        %mul3A_573 = arith.mulf %select_n3A_570, %get3A_572 : vector<16xf32>
        %add3A_574 = arith.addf %add3A_556, %mul3A_573 : vector<16xf32>
        %get3A_575 = arith.index_cast %add3A_498 : i32 to index
        %get3A_576 = arith.constant 0 : index
        %get3A_577 = tpu.vector_load %arg31[%get3A_575, %get3A_576] {strides = array<i32>} : memref<256x16xf32, #tpu.memory_space<vmem>>, vector<16xf32>,
        %get3A_578 = arith.index_cast %add3A_498 : i32 to index
        %get3A_579 = arith.constant 0 : index
        %get3A_580 = tpu.vector_load %arg39[%get3A_578, %get3A_579] {strides = array<i32>} : memref<256x16xf32, #tpu.memory_space<vmem>>, vector<16xf32>,
        %add3A_581 = arith.addf %get3A_577, %get3A_580 : vector<16xf32>
        %ge3A_582 = arith.constant 0.000000e+00 : f32
        %ge3A_583 = vector.broadcast %ge3A_582 : f32 to vector<16xf32>
        %ge3A_584 = arith.cmpf oge, %add3A_581, %ge3A_583 : vector<16xf32>
        %mul3A_585 = arith.constant 2.000000e-01 : f32
        %mul3A_586 = vector.broadcast %mul3A_585 : f32 to vector<16xf32>
        %mul3A_587 = arith.mulf %mul3A_586, %add3A_581 : vector<16xf32>
        %select_n3A_588 = arith.select %ge3A_584, %add3A_581, %mul3A_587 : vector<16xi1>, vector<16xf32>
        %get3A_589 = arith.constant 64 : index
        %get3A_590 = tpu.vector_load %arg44[%get3A_589] {strides = array<i32>} : memref<128xf32, #tpu.memory_space<vmem>>, vector<16xf32>,
        %mul3A_591 = arith.mulf %select_n3A_588, %get3A_590 : vector<16xf32>
        %add3A_592 = arith.addf %broadcast_in_dim3A_502, %mul3A_591 : vector<16xf32>
        %get3A_593 = arith.index_cast %add3A_498 : i32 to index
        %get3A_594 = arith.constant 0 : index
        %get3A_595 = tpu.vector_load %arg32[%get3A_593, %get3A_594] {strides = array<i32>} : memref<256x16xf32, #tpu.memory_space<vmem>>, vector<16xf32>,
        %get3A_596 = arith.index_cast %add3A_498 : i32 to index
        %get3A_597 = arith.constant 0 : index
        %get3A_598 = tpu.vector_load %arg40[%get3A_596, %get3A_597] {strides = array<i32>} : memref<256x16xf32, #tpu.memory_space<vmem>>, vector<16xf32>,
        %add3A_599 = arith.addf %get3A_595, %get3A_598 : vector<16xf32>
        %ge3A_600 = arith.constant 0.000000e+00 : f32
        %ge3A_601 = vector.broadcast %ge3A_600 : f32 to vector<16xf32>
        %ge3A_602 = arith.cmpf oge, %add3A_599, %ge3A_601 : vector<16xf32>
        %mul3A_603 = arith.constant 2.000000e-01 : f32
        %mul3A_604 = vector.broadcast %mul3A_603 : f32 to vector<16xf32>
        %mul3A_605 = arith.mulf %mul3A_604, %add3A_599 : vector<16xf32>
        %select_n3A_606 = arith.select %ge3A_602, %add3A_599, %mul3A_605 : vector<16xi1>, vector<16xf32>
        %get3A_607 = arith.constant 80 : index
        %get3A_608 = tpu.vector_load %arg44[%get3A_607] {strides = array<i32>} : memref<128xf32, #tpu.memory_space<vmem>>, vector<16xf32>,
        %mul3A_609 = arith.mulf %select_n3A_606, %get3A_608 : vector<16xf32>
        %add3A_610 = arith.addf %add3A_592, %mul3A_609 : vector<16xf32>
        %get3A_611 = arith.index_cast %add3A_498 : i32 to index
        %get3A_612 = arith.constant 0 : index
        %get3A_613 = tpu.vector_load %arg33[%get3A_611, %get3A_612] {strides = array<i32>} : memref<256x16xf32, #tpu.memory_space<vmem>>, vector<16xf32>,
        %get3A_614 = arith.index_cast %add3A_498 : i32 to index
        %get3A_615 = arith.constant 0 : index
        %get3A_616 = tpu.vector_load %arg41[%get3A_614, %get3A_615] {strides = array<i32>} : memref<256x16xf32, #tpu.memory_space<vmem>>, vector<16xf32>,
        %add3A_617 = arith.addf %get3A_613, %get3A_616 : vector<16xf32>
        %ge3A_618 = arith.constant 0.000000e+00 : f32
        %ge3A_619 = vector.broadcast %ge3A_618 : f32 to vector<16xf32>
        %ge3A_620 = arith.cmpf oge, %add3A_617, %ge3A_619 : vector<16xf32>
        %mul3A_621 = arith.constant 2.000000e-01 : f32
        %mul3A_622 = vector.broadcast %mul3A_621 : f32 to vector<16xf32>
        %mul3A_623 = arith.mulf %mul3A_622, %add3A_617 : vector<16xf32>
        %select_n3A_624 = arith.select %ge3A_620, %add3A_617, %mul3A_623 : vector<16xi1>, vector<16xf32>
        %get3A_625 = arith.constant 96 : index
        %get3A_626 = tpu.vector_load %arg44[%get3A_625] {strides = array<i32>} : memref<128xf32, #tpu.memory_space<vmem>>, vector<16xf32>,
        %mul3A_627 = arith.mulf %select_n3A_624, %get3A_626 : vector<16xf32>
        %add3A_628 = arith.addf %add3A_610, %mul3A_627 : vector<16xf32>
        %get3A_629 = arith.index_cast %add3A_498 : i32 to index
        %get3A_630 = arith.constant 0 : index
        %get3A_631 = tpu.vector_load %arg34[%get3A_629, %get3A_630] {strides = array<i32>} : memref<256x16xf32, #tpu.memory_space<vmem>>, vector<16xf32>,
        %get3A_632 = arith.index_cast %add3A_498 : i32 to index
        %get3A_633 = arith.constant 0 : index
        %get3A_634 = tpu.vector_load %arg42[%get3A_632, %get3A_633] {strides = array<i32>} : memref<256x16xf32, #tpu.memory_space<vmem>>, vector<16xf32>,
        %add3A_635 = arith.addf %get3A_631, %get3A_634 : vector<16xf32>
        %ge3A_636 = arith.constant 0.000000e+00 : f32
        %ge3A_637 = vector.broadcast %ge3A_636 : f32 to vector<16xf32>
        %ge3A_638 = arith.cmpf oge, %add3A_635, %ge3A_637 : vector<16xf32>
        %mul3A_639 = arith.constant 2.000000e-01 : f32
        %mul3A_640 = vector.broadcast %mul3A_639 : f32 to vector<16xf32>
        %mul3A_641 = arith.mulf %mul3A_640, %add3A_635 : vector<16xf32>
        %select_n3A_642 = arith.select %ge3A_638, %add3A_635, %mul3A_641 : vector<16xi1>, vector<16xf32>
        %get3A_643 = arith.constant 112 : index
        %get3A_644 = tpu.vector_load %arg44[%get3A_643] {strides = array<i32>} : memref<128xf32, #tpu.memory_space<vmem>>, vector<16xf32>,
        %mul3A_645 = arith.mulf %select_n3A_642, %get3A_644 : vector<16xf32>
        %add3A_646 = arith.addf %add3A_628, %mul3A_645 : vector<16xf32>
        %reduce_sum3A_647 = arith.constant true
        %reduce_sum3A_648 = vector.broadcast %reduce_sum3A_647 : i1 to vector<16xi1>
        %reduce_sum3A_649 = tpu.scan <sum>, %add3A_574 masked %reduce_sum3A_648 : vector<16xf32>, vector<16xi1> -> vector<16xf32>
        %reduce_sum3A_650 = vector.extract %reduce_sum3A_649[15] : f32 from vector<16xf32>
        %reduce_sum3A_651 = arith.constant true
        %reduce_sum3A_652 = vector.broadcast %reduce_sum3A_651 : i1 to vector<16xi1>
        %reduce_sum3A_653 = tpu.scan <sum>, %add3A_646 masked %reduce_sum3A_652 : vector<16xf32>, vector<16xi1> -> vector<16xf32>
        %reduce_sum3A_654 = vector.extract %reduce_sum3A_653[15] : f32 from vector<16xf32>
        %eq3A_655 = arith.constant 0 : i32
        %eq3A_656 = vector.broadcast %eq3A_655 : i32 to vector<16xi32>
        %eq3A_657 = arith.cmpi eq, %iota3A, %eq3A_656 : vector<16xi32>
        %eq3A_658 = arith.constant 1 : i32
        %eq3A_659 = vector.broadcast %eq3A_658 : i32 to vector<16xi32>
        %eq3A_660 = arith.cmpi eq, %iota3A, %eq3A_659 : vector<16xi32>
        %jit3A_661 = arith.constant 0.000000e+00 : f32
        %broadcast_in_dim3A_662 = vector.broadcast %reduce_sum3A_654 : f32 to vector<16xf32>
        %broadcast_in_dim3A_663 = vector.broadcast %jit3A_661 : f32 to vector<16xf32>
        %select_n3A_664 = arith.select %eq3A_660, %broadcast_in_dim3A_662, %broadcast_in_dim3A_663 : vector<16xi1>, vector<16xf32>
        %broadcast_in_dim3A_665 = vector.broadcast %reduce_sum3A_650 : f32 to vector<16xf32>
        %select_n3A_666 = arith.select %eq3A_657, %broadcast_in_dim3A_665, %select_n3A_664 : vector<16xi1>, vector<16xf32>
        %exp3A_667 = math.exp %select_n3A_666 : vector<16xf32>
        %lt3A_668 = arith.constant 2 : i32
        %lt3A_669 = vector.broadcast %lt3A_668 : i32 to vector<16xi32>
        %lt3A_670 = arith.cmpi slt, %iota3A, %lt3A_669 : vector<16xi32>
        %eq3A_671 = arith.constant 2 : i32
        %eq3A_672 = vector.broadcast %eq3A_671 : i32 to vector<16xi32>
        %eq3A_673 = arith.cmpi eq, %iota3A, %eq3A_672 : vector<16xi32>
        %jit3A_674 = arith.constant 1.000000e+00 : f32
        %jit3A_675 = arith.constant 0.000000e+00 : f32
        %broadcast_in_dim3A_676 = vector.broadcast %jit3A_674 : f32 to vector<16xf32>
        %broadcast_in_dim3A_677 = vector.broadcast %jit3A_675 : f32 to vector<16xf32>
        %select_n3A_678 = arith.select %eq3A_673, %broadcast_in_dim3A_676, %broadcast_in_dim3A_677 : vector<16xi1>, vector<16xf32>
        %select_n3A_679 = arith.select %lt3A_670, %exp3A_667, %select_n3A_678 : vector<16xi1>, vector<16xf32>
        %swap3A_680 = arith.index_cast %add3A_498 : i32 to index
        %swap3A_681 = arith.constant 0 : index
        %swap3A_682 = tpu.vector_load %arg43[%swap3A_680, %swap3A_681] {strides = array<i32>} : memref<256x16xf32, #tpu.memory_space<vmem>>, vector<16xf32>,
        tpu.vector_store %arg43[%swap3A_680, %swap3A_681], %select_n3A_679 {strides = array<i32>} : memref<256x16xf32, #tpu.memory_space<vmem>>, vector<16xf32>,
        %mul3A_683 = arith.constant 4 : i32
        %mul3A_684 = arith.muli %scan3A_127, %mul3A_683 : i32
        %add3A_685 = arith.constant 3 : i32
        %add3A_686 = arith.addi %mul3A_684, %add3A_685 : i32
        %broadcast_in_dim3A_687 = arith.constant 0.000000e+00 : f32
        %broadcast_in_dim3A_688 = vector.broadcast %broadcast_in_dim3A_687 : f32 to vector<16xf32>
        %broadcast_in_dim3A_689 = arith.constant 0.000000e+00 : f32
        %broadcast_in_dim3A_690 = vector.broadcast %broadcast_in_dim3A_689 : f32 to vector<16xf32>
        %get3A_691 = arith.index_cast %add3A_686 : i32 to index
        %get3A_692 = arith.constant 0 : index
        %get3A_693 = tpu.vector_load %arg27[%get3A_691, %get3A_692] {strides = array<i32>} : memref<256x16xf32, #tpu.memory_space<vmem>>, vector<16xf32>,
        %get3A_694 = arith.index_cast %add3A_686 : i32 to index
        %get3A_695 = arith.constant 0 : index
        %get3A_696 = tpu.vector_load %arg35[%get3A_694, %get3A_695] {strides = array<i32>} : memref<256x16xf32, #tpu.memory_space<vmem>>, vector<16xf32>,
        %add3A_697 = arith.addf %get3A_693, %get3A_696 : vector<16xf32>
        %ge3A_698 = arith.constant 0.000000e+00 : f32
        %ge3A_699 = vector.broadcast %ge3A_698 : f32 to vector<16xf32>
        %ge3A_700 = arith.cmpf oge, %add3A_697, %ge3A_699 : vector<16xf32>
        %mul3A_701 = arith.constant 2.000000e-01 : f32
        %mul3A_702 = vector.broadcast %mul3A_701 : f32 to vector<16xf32>
        %mul3A_703 = arith.mulf %mul3A_702, %add3A_697 : vector<16xf32>
        %select_n3A_704 = arith.select %ge3A_700, %add3A_697, %mul3A_703 : vector<16xi1>, vector<16xf32>
        %get3A_705 = arith.constant 0 : index
        %get3A_706 = tpu.vector_load %arg44[%get3A_705] {strides = array<i32>} : memref<128xf32, #tpu.memory_space<vmem>>, vector<16xf32>,
        %mul3A_707 = arith.mulf %select_n3A_704, %get3A_706 : vector<16xf32>
        %add3A_708 = arith.addf %broadcast_in_dim3A_688, %mul3A_707 : vector<16xf32>
        %get3A_709 = arith.index_cast %add3A_686 : i32 to index
        %get3A_710 = arith.constant 0 : index
        %get3A_711 = tpu.vector_load %arg28[%get3A_709, %get3A_710] {strides = array<i32>} : memref<256x16xf32, #tpu.memory_space<vmem>>, vector<16xf32>,
        %get3A_712 = arith.index_cast %add3A_686 : i32 to index
        %get3A_713 = arith.constant 0 : index
        %get3A_714 = tpu.vector_load %arg36[%get3A_712, %get3A_713] {strides = array<i32>} : memref<256x16xf32, #tpu.memory_space<vmem>>, vector<16xf32>,
        %add3A_715 = arith.addf %get3A_711, %get3A_714 : vector<16xf32>
        %ge3A_716 = arith.constant 0.000000e+00 : f32
        %ge3A_717 = vector.broadcast %ge3A_716 : f32 to vector<16xf32>
        %ge3A_718 = arith.cmpf oge, %add3A_715, %ge3A_717 : vector<16xf32>
        %mul3A_719 = arith.constant 2.000000e-01 : f32
        %mul3A_720 = vector.broadcast %mul3A_719 : f32 to vector<16xf32>
        %mul3A_721 = arith.mulf %mul3A_720, %add3A_715 : vector<16xf32>
        %select_n3A_722 = arith.select %ge3A_718, %add3A_715, %mul3A_721 : vector<16xi1>, vector<16xf32>
        %get3A_723 = arith.constant 16 : index
        %get3A_724 = tpu.vector_load %arg44[%get3A_723] {strides = array<i32>} : memref<128xf32, #tpu.memory_space<vmem>>, vector<16xf32>,
        %mul3A_725 = arith.mulf %select_n3A_722, %get3A_724 : vector<16xf32>
        %add3A_726 = arith.addf %add3A_708, %mul3A_725 : vector<16xf32>
        %get3A_727 = arith.index_cast %add3A_686 : i32 to index
        %get3A_728 = arith.constant 0 : index
        %get3A_729 = tpu.vector_load %arg29[%get3A_727, %get3A_728] {strides = array<i32>} : memref<256x16xf32, #tpu.memory_space<vmem>>, vector<16xf32>,
        %get3A_730 = arith.index_cast %add3A_686 : i32 to index
        %get3A_731 = arith.constant 0 : index
        %get3A_732 = tpu.vector_load %arg37[%get3A_730, %get3A_731] {strides = array<i32>} : memref<256x16xf32, #tpu.memory_space<vmem>>, vector<16xf32>,
        %add3A_733 = arith.addf %get3A_729, %get3A_732 : vector<16xf32>
        %ge3A_734 = arith.constant 0.000000e+00 : f32
        %ge3A_735 = vector.broadcast %ge3A_734 : f32 to vector<16xf32>
        %ge3A_736 = arith.cmpf oge, %add3A_733, %ge3A_735 : vector<16xf32>
        %mul3A_737 = arith.constant 2.000000e-01 : f32
        %mul3A_738 = vector.broadcast %mul3A_737 : f32 to vector<16xf32>
        %mul3A_739 = arith.mulf %mul3A_738, %add3A_733 : vector<16xf32>
        %select_n3A_740 = arith.select %ge3A_736, %add3A_733, %mul3A_739 : vector<16xi1>, vector<16xf32>
        %get3A_741 = arith.constant 32 : index
        %get3A_742 = tpu.vector_load %arg44[%get3A_741] {strides = array<i32>} : memref<128xf32, #tpu.memory_space<vmem>>, vector<16xf32>,
        %mul3A_743 = arith.mulf %select_n3A_740, %get3A_742 : vector<16xf32>
        %add3A_744 = arith.addf %add3A_726, %mul3A_743 : vector<16xf32>
        %get3A_745 = arith.index_cast %add3A_686 : i32 to index
        %get3A_746 = arith.constant 0 : index
        %get3A_747 = tpu.vector_load %arg30[%get3A_745, %get3A_746] {strides = array<i32>} : memref<256x16xf32, #tpu.memory_space<vmem>>, vector<16xf32>,
        %get3A_748 = arith.index_cast %add3A_686 : i32 to index
        %get3A_749 = arith.constant 0 : index
        %get3A_750 = tpu.vector_load %arg38[%get3A_748, %get3A_749] {strides = array<i32>} : memref<256x16xf32, #tpu.memory_space<vmem>>, vector<16xf32>,
        %add3A_751 = arith.addf %get3A_747, %get3A_750 : vector<16xf32>
        %ge3A_752 = arith.constant 0.000000e+00 : f32
        %ge3A_753 = vector.broadcast %ge3A_752 : f32 to vector<16xf32>
        %ge3A_754 = arith.cmpf oge, %add3A_751, %ge3A_753 : vector<16xf32>
        %mul3A_755 = arith.constant 2.000000e-01 : f32
        %mul3A_756 = vector.broadcast %mul3A_755 : f32 to vector<16xf32>
        %mul3A_757 = arith.mulf %mul3A_756, %add3A_751 : vector<16xf32>
        %select_n3A_758 = arith.select %ge3A_754, %add3A_751, %mul3A_757 : vector<16xi1>, vector<16xf32>
        %get3A_759 = arith.constant 48 : index
        %get3A_760 = tpu.vector_load %arg44[%get3A_759] {strides = array<i32>} : memref<128xf32, #tpu.memory_space<vmem>>, vector<16xf32>,
        %mul3A_761 = arith.mulf %select_n3A_758, %get3A_760 : vector<16xf32>
        %add3A_762 = arith.addf %add3A_744, %mul3A_761 : vector<16xf32>
        %get3A_763 = arith.index_cast %add3A_686 : i32 to index
        %get3A_764 = arith.constant 0 : index
        %get3A_765 = tpu.vector_load %arg31[%get3A_763, %get3A_764] {strides = array<i32>} : memref<256x16xf32, #tpu.memory_space<vmem>>, vector<16xf32>,
        %get3A_766 = arith.index_cast %add3A_686 : i32 to index
        %get3A_767 = arith.constant 0 : index
        %get3A_768 = tpu.vector_load %arg39[%get3A_766, %get3A_767] {strides = array<i32>} : memref<256x16xf32, #tpu.memory_space<vmem>>, vector<16xf32>,
        %add3A_769 = arith.addf %get3A_765, %get3A_768 : vector<16xf32>
        %ge3A_770 = arith.constant 0.000000e+00 : f32
        %ge3A_771 = vector.broadcast %ge3A_770 : f32 to vector<16xf32>
        %ge3A_772 = arith.cmpf oge, %add3A_769, %ge3A_771 : vector<16xf32>
        %mul3A_773 = arith.constant 2.000000e-01 : f32
        %mul3A_774 = vector.broadcast %mul3A_773 : f32 to vector<16xf32>
        %mul3A_775 = arith.mulf %mul3A_774, %add3A_769 : vector<16xf32>
        %select_n3A_776 = arith.select %ge3A_772, %add3A_769, %mul3A_775 : vector<16xi1>, vector<16xf32>
        %get3A_777 = arith.constant 64 : index
        %get3A_778 = tpu.vector_load %arg44[%get3A_777] {strides = array<i32>} : memref<128xf32, #tpu.memory_space<vmem>>, vector<16xf32>,
        %mul3A_779 = arith.mulf %select_n3A_776, %get3A_778 : vector<16xf32>
        %add3A_780 = arith.addf %broadcast_in_dim3A_690, %mul3A_779 : vector<16xf32>
        %get3A_781 = arith.index_cast %add3A_686 : i32 to index
        %get3A_782 = arith.constant 0 : index
        %get3A_783 = tpu.vector_load %arg32[%get3A_781, %get3A_782] {strides = array<i32>} : memref<256x16xf32, #tpu.memory_space<vmem>>, vector<16xf32>,
        %get3A_784 = arith.index_cast %add3A_686 : i32 to index
        %get3A_785 = arith.constant 0 : index
        %get3A_786 = tpu.vector_load %arg40[%get3A_784, %get3A_785] {strides = array<i32>} : memref<256x16xf32, #tpu.memory_space<vmem>>, vector<16xf32>,
        %add3A_787 = arith.addf %get3A_783, %get3A_786 : vector<16xf32>
        %ge3A_788 = arith.constant 0.000000e+00 : f32
        %ge3A_789 = vector.broadcast %ge3A_788 : f32 to vector<16xf32>
        %ge3A_790 = arith.cmpf oge, %add3A_787, %ge3A_789 : vector<16xf32>
        %mul3A_791 = arith.constant 2.000000e-01 : f32
        %mul3A_792 = vector.broadcast %mul3A_791 : f32 to vector<16xf32>
        %mul3A_793 = arith.mulf %mul3A_792, %add3A_787 : vector<16xf32>
        %select_n3A_794 = arith.select %ge3A_790, %add3A_787, %mul3A_793 : vector<16xi1>, vector<16xf32>
        %get3A_795 = arith.constant 80 : index
        %get3A_796 = tpu.vector_load %arg44[%get3A_795] {strides = array<i32>} : memref<128xf32, #tpu.memory_space<vmem>>, vector<16xf32>,
        %mul3A_797 = arith.mulf %select_n3A_794, %get3A_796 : vector<16xf32>
        %add3A_798 = arith.addf %add3A_780, %mul3A_797 : vector<16xf32>
        %get3A_799 = arith.index_cast %add3A_686 : i32 to index
        %get3A_800 = arith.constant 0 : index
        %get3A_801 = tpu.vector_load %arg33[%get3A_799, %get3A_800] {strides = array<i32>} : memref<256x16xf32, #tpu.memory_space<vmem>>, vector<16xf32>,
        %get3A_802 = arith.index_cast %add3A_686 : i32 to index
        %get3A_803 = arith.constant 0 : index
        %get3A_804 = tpu.vector_load %arg41[%get3A_802, %get3A_803] {strides = array<i32>} : memref<256x16xf32, #tpu.memory_space<vmem>>, vector<16xf32>,
        %add3A_805 = arith.addf %get3A_801, %get3A_804 : vector<16xf32>
        %ge3A_806 = arith.constant 0.000000e+00 : f32
        %ge3A_807 = vector.broadcast %ge3A_806 : f32 to vector<16xf32>
        %ge3A_808 = arith.cmpf oge, %add3A_805, %ge3A_807 : vector<16xf32>
        %mul3A_809 = arith.constant 2.000000e-01 : f32
        %mul3A_810 = vector.broadcast %mul3A_809 : f32 to vector<16xf32>
        %mul3A_811 = arith.mulf %mul3A_810, %add3A_805 : vector<16xf32>
        %select_n3A_812 = arith.select %ge3A_808, %add3A_805, %mul3A_811 : vector<16xi1>, vector<16xf32>
        %get3A_813 = arith.constant 96 : index
        %get3A_814 = tpu.vector_load %arg44[%get3A_813] {strides = array<i32>} : memref<128xf32, #tpu.memory_space<vmem>>, vector<16xf32>,
        %mul3A_815 = arith.mulf %select_n3A_812, %get3A_814 : vector<16xf32>
        %add3A_816 = arith.addf %add3A_798, %mul3A_815 : vector<16xf32>
        %get3A_817 = arith.index_cast %add3A_686 : i32 to index
        %get3A_818 = arith.constant 0 : index
        %get3A_819 = tpu.vector_load %arg34[%get3A_817, %get3A_818] {strides = array<i32>} : memref<256x16xf32, #tpu.memory_space<vmem>>, vector<16xf32>,
        %get3A_820 = arith.index_cast %add3A_686 : i32 to index
        %get3A_821 = arith.constant 0 : index
        %get3A_822 = tpu.vector_load %arg42[%get3A_820, %get3A_821] {strides = array<i32>} : memref<256x16xf32, #tpu.memory_space<vmem>>, vector<16xf32>,
        %add3A_823 = arith.addf %get3A_819, %get3A_822 : vector<16xf32>
        %ge3A_824 = arith.constant 0.000000e+00 : f32
        %ge3A_825 = vector.broadcast %ge3A_824 : f32 to vector<16xf32>
        %ge3A_826 = arith.cmpf oge, %add3A_823, %ge3A_825 : vector<16xf32>
        %mul3A_827 = arith.constant 2.000000e-01 : f32
        %mul3A_828 = vector.broadcast %mul3A_827 : f32 to vector<16xf32>
        %mul3A_829 = arith.mulf %mul3A_828, %add3A_823 : vector<16xf32>
        %select_n3A_830 = arith.select %ge3A_826, %add3A_823, %mul3A_829 : vector<16xi1>, vector<16xf32>
        %get3A_831 = arith.constant 112 : index
        %get3A_832 = tpu.vector_load %arg44[%get3A_831] {strides = array<i32>} : memref<128xf32, #tpu.memory_space<vmem>>, vector<16xf32>,
        %mul3A_833 = arith.mulf %select_n3A_830, %get3A_832 : vector<16xf32>
        %add3A_834 = arith.addf %add3A_816, %mul3A_833 : vector<16xf32>
        %reduce_sum3A_835 = arith.constant true
        %reduce_sum3A_836 = vector.broadcast %reduce_sum3A_835 : i1 to vector<16xi1>
        %reduce_sum3A_837 = tpu.scan <sum>, %add3A_762 masked %reduce_sum3A_836 : vector<16xf32>, vector<16xi1> -> vector<16xf32>
        %reduce_sum3A_838 = vector.extract %reduce_sum3A_837[15] : f32 from vector<16xf32>
        %reduce_sum3A_839 = arith.constant true
        %reduce_sum3A_840 = vector.broadcast %reduce_sum3A_839 : i1 to vector<16xi1>
        %reduce_sum3A_841 = tpu.scan <sum>, %add3A_834 masked %reduce_sum3A_840 : vector<16xf32>, vector<16xi1> -> vector<16xf32>
        %reduce_sum3A_842 = vector.extract %reduce_sum3A_841[15] : f32 from vector<16xf32>
        %eq3A_843 = arith.constant 0 : i32
        %eq3A_844 = vector.broadcast %eq3A_843 : i32 to vector<16xi32>
        %eq3A_845 = arith.cmpi eq, %iota3A, %eq3A_844 : vector<16xi32>
        %eq3A_846 = arith.constant 1 : i32
        %eq3A_847 = vector.broadcast %eq3A_846 : i32 to vector<16xi32>
        %eq3A_848 = arith.cmpi eq, %iota3A, %eq3A_847 : vector<16xi32>
        %jit3A_849 = arith.constant 0.000000e+00 : f32
        %broadcast_in_dim3A_850 = vector.broadcast %reduce_sum3A_842 : f32 to vector<16xf32>
        %broadcast_in_dim3A_851 = vector.broadcast %jit3A_849 : f32 to vector<16xf32>
        %select_n3A_852 = arith.select %eq3A_848, %broadcast_in_dim3A_850, %broadcast_in_dim3A_851 : vector<16xi1>, vector<16xf32>
        %broadcast_in_dim3A_853 = vector.broadcast %reduce_sum3A_838 : f32 to vector<16xf32>
        %select_n3A_854 = arith.select %eq3A_845, %broadcast_in_dim3A_853, %select_n3A_852 : vector<16xi1>, vector<16xf32>
        %exp3A_855 = math.exp %select_n3A_854 : vector<16xf32>
        %lt3A_856 = arith.constant 2 : i32
        %lt3A_857 = vector.broadcast %lt3A_856 : i32 to vector<16xi32>
        %lt3A_858 = arith.cmpi slt, %iota3A, %lt3A_857 : vector<16xi32>
        %eq3A_859 = arith.constant 2 : i32
        %eq3A_860 = vector.broadcast %eq3A_859 : i32 to vector<16xi32>
        %eq3A_861 = arith.cmpi eq, %iota3A, %eq3A_860 : vector<16xi32>
        %jit3A_862 = arith.constant 1.000000e+00 : f32
        %jit3A_863 = arith.constant 0.000000e+00 : f32
        %broadcast_in_dim3A_864 = vector.broadcast %jit3A_862 : f32 to vector<16xf32>
        %broadcast_in_dim3A_865 = vector.broadcast %jit3A_863 : f32 to vector<16xf32>
        %select_n3A_866 = arith.select %eq3A_861, %broadcast_in_dim3A_864, %broadcast_in_dim3A_865 : vector<16xi1>, vector<16xf32>
        %select_n3A_867 = arith.select %lt3A_858, %exp3A_855, %select_n3A_866 : vector<16xi1>, vector<16xf32>
        %swap3A_868 = arith.index_cast %add3A_686 : i32 to index
        %swap3A_869 = arith.constant 0 : index
        %swap3A_870 = tpu.vector_load %arg43[%swap3A_868, %swap3A_869] {strides = array<i32>} : memref<256x16xf32, #tpu.memory_space<vmem>>, vector<16xf32>,
        tpu.vector_store %arg43[%swap3A_868, %swap3A_869], %select_n3A_867 {strides = array<i32>} : memref<256x16xf32, #tpu.memory_space<vmem>>, vector<16xf32>,
      }
      %scan3A_126 = arith.constant 64 : i32
      "tpu.region"() ({
        %run_scoped3A = tpu.sem_alloc : memref<!tpu.dma_semaphore, #tpu.memory_space<semaphore_mem>>
        %dma_start3A_127 = arith.constant 0 : i32
        %dma_start3A_128 = tpu.memref_slice %arg22[%multiple_of3A, %dma_start3A_127] : memref<327680x16xf32, #tpu.memory_space<hbm>> -> memref<256x16xf32, #tpu.memory_space<hbm>>
        %dma_start3A_129 = arith.constant 0 : i32
        %dma_start3A_130 = tpu.memref_slice %arg22[%multiple_of3A, %dma_start3A_129] : memref<327680x16xf32, #tpu.memory_space<hbm>> -> memref<256x16xf32, #tpu.memory_space<hbm>>
        tpu.enqueue_dma source(%arg43 : memref<256x16xf32, #tpu.memory_space<vmem>>) target(%dma_start3A_130 : memref<256x16xf32, #tpu.memory_space<hbm>>) target_semaphore(%run_scoped3A : memref<!tpu.dma_semaphore, #tpu.memory_space<semaphore_mem>>)
        %dma_wait3A_131 = arith.constant 0 : i32
        %dma_wait3A_132 = tpu.memref_slice %arg22[%multiple_of3A, %dma_wait3A_131] : memref<327680x16xf32, #tpu.memory_space<hbm>> -> memref<256x16xf32, #tpu.memory_space<hbm>>
        %dma_wait3A_133 = arith.constant 0 : i32
        %dma_wait3A_134 = tpu.memref_slice %arg22[%multiple_of3A, %dma_wait3A_133] : memref<327680x16xf32, #tpu.memory_space<hbm>> -> memref<256x16xf32, #tpu.memory_space<hbm>>
        tpu.wait_dma2 semaphore(%run_scoped3A : memref<!tpu.dma_semaphore, #tpu.memory_space<semaphore_mem>>) src(%arg43 : memref<256x16xf32, #tpu.memory_space<vmem>>) dst(%dma_wait3A_134 : memref<256x16xf32, #tpu.memory_space<hbm>>)
        tpu.yield
      }) : () -> ()
    }
    %scan3A_5 = arith.constant 40 : i32
    %barrier3A = arith.constant 0 : index
    tpu.barrier barrier_id(%barrier3A)
    %eq3A = arith.constant 0 : i32
    %eq3A_6 = arith.cmpi eq, %arg1, %eq3A : i32
    %convert_element_type3A = arith.extui %eq3A_6 : i1 to i32
    %cond3A = arith.constant 0 : i32
    %cond3A_7 = arith.cmpi ne, %convert_element_type3A, %cond3A : i32
    scf.if %cond3A_7 {
      "tpu.region"() ({
        %run_scoped3A = tpu.sem_alloc : memref<!tpu.dma_semaphore, #tpu.memory_space<semaphore_mem>>
        tpu.enqueue_dma source(%arg21 : memref<10016x16xf32, #tpu.memory_space<hbm>>) target(%arg45 : memref<10016x16xf32, #tpu.memory_space<vmem_shared>>) target_semaphore(%run_scoped3A : memref<!tpu.dma_semaphore, #tpu.memory_space<semaphore_mem>>)
        tpu.wait_dma2 semaphore(%run_scoped3A : memref<!tpu.dma_semaphore, #tpu.memory_space<semaphore_mem>>) src(%arg21 : memref<10016x16xf32, #tpu.memory_space<hbm>>) dst(%arg45 : memref<10016x16xf32, #tpu.memory_space<vmem_shared>>)
        tpu.yield
      }) : () -> ()
    } else {
    }
    %barrier3A_8 = arith.constant 0 : index
    tpu.barrier barrier_id(%barrier3A_8)
    %scan3A_9 = arith.constant 0 : i32
    %scan3A_10 = arith.constant 0 : i32
    %scan3A_11 = arith.constant 40 : i32
    %scan3A_12 = arith.addi %scan3A_10, %scan3A_11 : i32
    %scan3A_13 = arith.constant 1 : i32
    scf.for %scan3A_21 = %scan3A_10 to %scan3A_12 step %scan3A_13  : i32 {
      %mul3A_22 = arith.constant 10240 : i32
      %mul3A_23 = arith.muli %add3A, %mul3A_22 : i32
      %mul3A_24 = arith.constant 256 : i32
      %mul3A_25 = arith.muli %scan3A_21, %mul3A_24 : i32
      %add3A_26 = arith.addi %mul3A_23, %mul3A_25 : i32
      %multiple_of3A = tpu.assume_multiple %add3A_26, 256 : i32
      "tpu.region"() ({
        %run_scoped3A = tpu.sem_alloc : memref<!tpu.dma_semaphore, #tpu.memory_space<semaphore_mem>>
        %dma_start3A = tpu.memref_slice %arg3[%multiple_of3A] : memref<327680xi32, #tpu.memory_space<hbm>> -> memref<256xi32, #tpu.memory_space<hbm>>
        %dma_start3A_290 = tpu.memref_slice %arg3[%multiple_of3A] : memref<327680xi32, #tpu.memory_space<hbm>> -> memref<256xi32, #tpu.memory_space<hbm>>
        tpu.enqueue_dma source(%dma_start3A_290 : memref<256xi32, #tpu.memory_space<hbm>>) target(%arg25 : memref<256xi32, #tpu.memory_space<vmem>>) target_semaphore(%run_scoped3A : memref<!tpu.dma_semaphore, #tpu.memory_space<semaphore_mem>>)
        %dma_wait3A = tpu.memref_slice %arg3[%multiple_of3A] : memref<327680xi32, #tpu.memory_space<hbm>> -> memref<256xi32, #tpu.memory_space<hbm>>
        %dma_wait3A_291 = tpu.memref_slice %arg3[%multiple_of3A] : memref<327680xi32, #tpu.memory_space<hbm>> -> memref<256xi32, #tpu.memory_space<hbm>>
        tpu.wait_dma2 semaphore(%run_scoped3A : memref<!tpu.dma_semaphore, #tpu.memory_space<semaphore_mem>>) src(%dma_wait3A_291 : memref<256xi32, #tpu.memory_space<hbm>>) dst(%arg25 : memref<256xi32, #tpu.memory_space<vmem>>)
        tpu.yield
      }) : () -> ()
      "tpu.region"() ({
        %run_scoped3A = tpu.sem_alloc : memref<!tpu.dma_semaphore, #tpu.memory_space<semaphore_mem>>
        %dma_start3A = arith.constant 0 : i32
        %dma_start3A_290 = tpu.memref_slice %arg22[%multiple_of3A, %dma_start3A] : memref<327680x16xf32, #tpu.memory_space<hbm>> -> memref<256x16xf32, #tpu.memory_space<hbm>>
        %dma_start3A_291 = arith.constant 0 : i32
        %dma_start3A_292 = tpu.memref_slice %arg22[%multiple_of3A, %dma_start3A_291] : memref<327680x16xf32, #tpu.memory_space<hbm>> -> memref<256x16xf32, #tpu.memory_space<hbm>>
        tpu.enqueue_dma source(%dma_start3A_292 : memref<256x16xf32, #tpu.memory_space<hbm>>) target(%arg43 : memref<256x16xf32, #tpu.memory_space<vmem>>) target_semaphore(%run_scoped3A : memref<!tpu.dma_semaphore, #tpu.memory_space<semaphore_mem>>)
        %dma_wait3A = arith.constant 0 : i32
        %dma_wait3A_293 = tpu.memref_slice %arg22[%multiple_of3A, %dma_wait3A] : memref<327680x16xf32, #tpu.memory_space<hbm>> -> memref<256x16xf32, #tpu.memory_space<hbm>>
        %dma_wait3A_294 = arith.constant 0 : i32
        %dma_wait3A_295 = tpu.memref_slice %arg22[%multiple_of3A, %dma_wait3A_294] : memref<327680x16xf32, #tpu.memory_space<hbm>> -> memref<256x16xf32, #tpu.memory_space<hbm>>
        tpu.wait_dma2 semaphore(%run_scoped3A : memref<!tpu.dma_semaphore, #tpu.memory_space<semaphore_mem>>) src(%dma_wait3A_295 : memref<256x16xf32, #tpu.memory_space<hbm>>) dst(%arg43 : memref<256x16xf32, #tpu.memory_space<vmem>>)
        tpu.yield
      }) : () -> ()
      %get3A = arith.constant 0 : index
      %get3A_27 = tpu.vector_load %arg25[%get3A] {strides = array<i32>} : memref<256xi32, #tpu.memory_space<vmem>>, vector<16xi32>,
      %sub3A = arith.constant 0 : i32
      %sub3A_28 = vector.broadcast %sub3A : i32 to vector<16xi32>
      %sub3A_29 = arith.subi %get3A_27, %sub3A_28 : vector<16xi32>
      %ge3A = arith.constant 0 : i32
      %ge3A_30 = vector.broadcast %ge3A : i32 to vector<16xi32>
      %ge3A_31 = arith.cmpi sge, %sub3A_29, %ge3A_30 : vector<16xi32>
      %lt3A = arith.constant 10000 : i32
      %lt3A_32 = vector.broadcast %lt3A : i32 to vector<16xi32>
      %lt3A_33 = arith.cmpi slt, %sub3A_29, %lt3A_32 : vector<16xi32>
      %and3A = arith.andi %ge3A_31, %lt3A_33 : vector<16xi1>
      %jit3A = arith.constant 10000 : i32
      %broadcast_in_dim3A = vector.broadcast %jit3A : i32 to vector<16xi32>
      %select_n3A = arith.select %and3A, %sub3A_29, %broadcast_in_dim3A : vector<16xi1>, vector<16xi32>
      %swap3A = arith.constant 0 : index
      %swap3A_34 = tpu.vector_load %arg26[%swap3A] {strides = array<i32>} : memref<256xi32, #tpu.memory_space<vmem>>, vector<16xi32>,
      tpu.vector_store %arg26[%swap3A], %select_n3A {strides = array<i32>} : memref<256xi32, #tpu.memory_space<vmem>>, vector<16xi32>,
      %get3A_35 = arith.constant 16 : index
      %get3A_36 = tpu.vector_load %arg25[%get3A_35] {strides = array<i32>} : memref<256xi32, #tpu.memory_space<vmem>>, vector<16xi32>,
      %sub3A_37 = arith.constant 0 : i32
      %sub3A_38 = vector.broadcast %sub3A_37 : i32 to vector<16xi32>
      %sub3A_39 = arith.subi %get3A_36, %sub3A_38 : vector<16xi32>
      %ge3A_40 = arith.constant 0 : i32
      %ge3A_41 = vector.broadcast %ge3A_40 : i32 to vector<16xi32>
      %ge3A_42 = arith.cmpi sge, %sub3A_39, %ge3A_41 : vector<16xi32>
      %lt3A_43 = arith.constant 10000 : i32
      %lt3A_44 = vector.broadcast %lt3A_43 : i32 to vector<16xi32>
      %lt3A_45 = arith.cmpi slt, %sub3A_39, %lt3A_44 : vector<16xi32>
      %and3A_46 = arith.andi %ge3A_42, %lt3A_45 : vector<16xi1>
      %jit3A_47 = arith.constant 10000 : i32
      %broadcast_in_dim3A_48 = vector.broadcast %jit3A_47 : i32 to vector<16xi32>
      %select_n3A_49 = arith.select %and3A_46, %sub3A_39, %broadcast_in_dim3A_48 : vector<16xi1>, vector<16xi32>
      %swap3A_50 = arith.constant 16 : index
      %swap3A_51 = tpu.vector_load %arg26[%swap3A_50] {strides = array<i32>} : memref<256xi32, #tpu.memory_space<vmem>>, vector<16xi32>,
      tpu.vector_store %arg26[%swap3A_50], %select_n3A_49 {strides = array<i32>} : memref<256xi32, #tpu.memory_space<vmem>>, vector<16xi32>,
      %get3A_52 = arith.constant 32 : index
      %get3A_53 = tpu.vector_load %arg25[%get3A_52] {strides = array<i32>} : memref<256xi32, #tpu.memory_space<vmem>>, vector<16xi32>,
      %sub3A_54 = arith.constant 0 : i32
      %sub3A_55 = vector.broadcast %sub3A_54 : i32 to vector<16xi32>
      %sub3A_56 = arith.subi %get3A_53, %sub3A_55 : vector<16xi32>
      %ge3A_57 = arith.constant 0 : i32
      %ge3A_58 = vector.broadcast %ge3A_57 : i32 to vector<16xi32>
      %ge3A_59 = arith.cmpi sge, %sub3A_56, %ge3A_58 : vector<16xi32>
      %lt3A_60 = arith.constant 10000 : i32
      %lt3A_61 = vector.broadcast %lt3A_60 : i32 to vector<16xi32>
      %lt3A_62 = arith.cmpi slt, %sub3A_56, %lt3A_61 : vector<16xi32>
      %and3A_63 = arith.andi %ge3A_59, %lt3A_62 : vector<16xi1>
      %jit3A_64 = arith.constant 10000 : i32
      %broadcast_in_dim3A_65 = vector.broadcast %jit3A_64 : i32 to vector<16xi32>
      %select_n3A_66 = arith.select %and3A_63, %sub3A_56, %broadcast_in_dim3A_65 : vector<16xi1>, vector<16xi32>
      %swap3A_67 = arith.constant 32 : index
      %swap3A_68 = tpu.vector_load %arg26[%swap3A_67] {strides = array<i32>} : memref<256xi32, #tpu.memory_space<vmem>>, vector<16xi32>,
      tpu.vector_store %arg26[%swap3A_67], %select_n3A_66 {strides = array<i32>} : memref<256xi32, #tpu.memory_space<vmem>>, vector<16xi32>,
      %get3A_69 = arith.constant 48 : index
      %get3A_70 = tpu.vector_load %arg25[%get3A_69] {strides = array<i32>} : memref<256xi32, #tpu.memory_space<vmem>>, vector<16xi32>,
      %sub3A_71 = arith.constant 0 : i32
      %sub3A_72 = vector.broadcast %sub3A_71 : i32 to vector<16xi32>
      %sub3A_73 = arith.subi %get3A_70, %sub3A_72 : vector<16xi32>
      %ge3A_74 = arith.constant 0 : i32
      %ge3A_75 = vector.broadcast %ge3A_74 : i32 to vector<16xi32>
      %ge3A_76 = arith.cmpi sge, %sub3A_73, %ge3A_75 : vector<16xi32>
      %lt3A_77 = arith.constant 10000 : i32
      %lt3A_78 = vector.broadcast %lt3A_77 : i32 to vector<16xi32>
      %lt3A_79 = arith.cmpi slt, %sub3A_73, %lt3A_78 : vector<16xi32>
      %and3A_80 = arith.andi %ge3A_76, %lt3A_79 : vector<16xi1>
      %jit3A_81 = arith.constant 10000 : i32
      %broadcast_in_dim3A_82 = vector.broadcast %jit3A_81 : i32 to vector<16xi32>
      %select_n3A_83 = arith.select %and3A_80, %sub3A_73, %broadcast_in_dim3A_82 : vector<16xi1>, vector<16xi32>
      %swap3A_84 = arith.constant 48 : index
      %swap3A_85 = tpu.vector_load %arg26[%swap3A_84] {strides = array<i32>} : memref<256xi32, #tpu.memory_space<vmem>>, vector<16xi32>,
      tpu.vector_store %arg26[%swap3A_84], %select_n3A_83 {strides = array<i32>} : memref<256xi32, #tpu.memory_space<vmem>>, vector<16xi32>,
      %get3A_86 = arith.constant 64 : index
      %get3A_87 = tpu.vector_load %arg25[%get3A_86] {strides = array<i32>} : memref<256xi32, #tpu.memory_space<vmem>>, vector<16xi32>,
      %sub3A_88 = arith.constant 0 : i32
      %sub3A_89 = vector.broadcast %sub3A_88 : i32 to vector<16xi32>
      %sub3A_90 = arith.subi %get3A_87, %sub3A_89 : vector<16xi32>
      %ge3A_91 = arith.constant 0 : i32
      %ge3A_92 = vector.broadcast %ge3A_91 : i32 to vector<16xi32>
      %ge3A_93 = arith.cmpi sge, %sub3A_90, %ge3A_92 : vector<16xi32>
      %lt3A_94 = arith.constant 10000 : i32
      %lt3A_95 = vector.broadcast %lt3A_94 : i32 to vector<16xi32>
      %lt3A_96 = arith.cmpi slt, %sub3A_90, %lt3A_95 : vector<16xi32>
      %and3A_97 = arith.andi %ge3A_93, %lt3A_96 : vector<16xi1>
      %jit3A_98 = arith.constant 10000 : i32
      %broadcast_in_dim3A_99 = vector.broadcast %jit3A_98 : i32 to vector<16xi32>
      %select_n3A_100 = arith.select %and3A_97, %sub3A_90, %broadcast_in_dim3A_99 : vector<16xi1>, vector<16xi32>
      %swap3A_101 = arith.constant 64 : index
      %swap3A_102 = tpu.vector_load %arg26[%swap3A_101] {strides = array<i32>} : memref<256xi32, #tpu.memory_space<vmem>>, vector<16xi32>,
      tpu.vector_store %arg26[%swap3A_101], %select_n3A_100 {strides = array<i32>} : memref<256xi32, #tpu.memory_space<vmem>>, vector<16xi32>,
      %get3A_103 = arith.constant 80 : index
      %get3A_104 = tpu.vector_load %arg25[%get3A_103] {strides = array<i32>} : memref<256xi32, #tpu.memory_space<vmem>>, vector<16xi32>,
      %sub3A_105 = arith.constant 0 : i32
      %sub3A_106 = vector.broadcast %sub3A_105 : i32 to vector<16xi32>
      %sub3A_107 = arith.subi %get3A_104, %sub3A_106 : vector<16xi32>
      %ge3A_108 = arith.constant 0 : i32
      %ge3A_109 = vector.broadcast %ge3A_108 : i32 to vector<16xi32>
      %ge3A_110 = arith.cmpi sge, %sub3A_107, %ge3A_109 : vector<16xi32>
      %lt3A_111 = arith.constant 10000 : i32
      %lt3A_112 = vector.broadcast %lt3A_111 : i32 to vector<16xi32>
      %lt3A_113 = arith.cmpi slt, %sub3A_107, %lt3A_112 : vector<16xi32>
      %and3A_114 = arith.andi %ge3A_110, %lt3A_113 : vector<16xi1>
      %jit3A_115 = arith.constant 10000 : i32
      %broadcast_in_dim3A_116 = vector.broadcast %jit3A_115 : i32 to vector<16xi32>
      %select_n3A_117 = arith.select %and3A_114, %sub3A_107, %broadcast_in_dim3A_116 : vector<16xi1>, vector<16xi32>
      %swap3A_118 = arith.constant 80 : index
      %swap3A_119 = tpu.vector_load %arg26[%swap3A_118] {strides = array<i32>} : memref<256xi32, #tpu.memory_space<vmem>>, vector<16xi32>,
      tpu.vector_store %arg26[%swap3A_118], %select_n3A_117 {strides = array<i32>} : memref<256xi32, #tpu.memory_space<vmem>>, vector<16xi32>,
      %get3A_120 = arith.constant 96 : index
      %get3A_121 = tpu.vector_load %arg25[%get3A_120] {strides = array<i32>} : memref<256xi32, #tpu.memory_space<vmem>>, vector<16xi32>,
      %sub3A_122 = arith.constant 0 : i32
      %sub3A_123 = vector.broadcast %sub3A_122 : i32 to vector<16xi32>
      %sub3A_124 = arith.subi %get3A_121, %sub3A_123 : vector<16xi32>
      %ge3A_125 = arith.constant 0 : i32
      %ge3A_126 = vector.broadcast %ge3A_125 : i32 to vector<16xi32>
      %ge3A_127 = arith.cmpi sge, %sub3A_124, %ge3A_126 : vector<16xi32>
      %lt3A_128 = arith.constant 10000 : i32
      %lt3A_129 = vector.broadcast %lt3A_128 : i32 to vector<16xi32>
      %lt3A_130 = arith.cmpi slt, %sub3A_124, %lt3A_129 : vector<16xi32>
      %and3A_131 = arith.andi %ge3A_127, %lt3A_130 : vector<16xi1>
      %jit3A_132 = arith.constant 10000 : i32
      %broadcast_in_dim3A_133 = vector.broadcast %jit3A_132 : i32 to vector<16xi32>
      %select_n3A_134 = arith.select %and3A_131, %sub3A_124, %broadcast_in_dim3A_133 : vector<16xi1>, vector<16xi32>
      %swap3A_135 = arith.constant 96 : index
      %swap3A_136 = tpu.vector_load %arg26[%swap3A_135] {strides = array<i32>} : memref<256xi32, #tpu.memory_space<vmem>>, vector<16xi32>,
      tpu.vector_store %arg26[%swap3A_135], %select_n3A_134 {strides = array<i32>} : memref<256xi32, #tpu.memory_space<vmem>>, vector<16xi32>,
      %get3A_137 = arith.constant 112 : index
      %get3A_138 = tpu.vector_load %arg25[%get3A_137] {strides = array<i32>} : memref<256xi32, #tpu.memory_space<vmem>>, vector<16xi32>,
      %sub3A_139 = arith.constant 0 : i32
      %sub3A_140 = vector.broadcast %sub3A_139 : i32 to vector<16xi32>
      %sub3A_141 = arith.subi %get3A_138, %sub3A_140 : vector<16xi32>
      %ge3A_142 = arith.constant 0 : i32
      %ge3A_143 = vector.broadcast %ge3A_142 : i32 to vector<16xi32>
      %ge3A_144 = arith.cmpi sge, %sub3A_141, %ge3A_143 : vector<16xi32>
      %lt3A_145 = arith.constant 10000 : i32
      %lt3A_146 = vector.broadcast %lt3A_145 : i32 to vector<16xi32>
      %lt3A_147 = arith.cmpi slt, %sub3A_141, %lt3A_146 : vector<16xi32>
      %and3A_148 = arith.andi %ge3A_144, %lt3A_147 : vector<16xi1>
      %jit3A_149 = arith.constant 10000 : i32
      %broadcast_in_dim3A_150 = vector.broadcast %jit3A_149 : i32 to vector<16xi32>
      %select_n3A_151 = arith.select %and3A_148, %sub3A_141, %broadcast_in_dim3A_150 : vector<16xi1>, vector<16xi32>
      %swap3A_152 = arith.constant 112 : index
      %swap3A_153 = tpu.vector_load %arg26[%swap3A_152] {strides = array<i32>} : memref<256xi32, #tpu.memory_space<vmem>>, vector<16xi32>,
      tpu.vector_store %arg26[%swap3A_152], %select_n3A_151 {strides = array<i32>} : memref<256xi32, #tpu.memory_space<vmem>>, vector<16xi32>,
      %get3A_154 = arith.constant 128 : index
      %get3A_155 = tpu.vector_load %arg25[%get3A_154] {strides = array<i32>} : memref<256xi32, #tpu.memory_space<vmem>>, vector<16xi32>,
      %sub3A_156 = arith.constant 0 : i32
      %sub3A_157 = vector.broadcast %sub3A_156 : i32 to vector<16xi32>
      %sub3A_158 = arith.subi %get3A_155, %sub3A_157 : vector<16xi32>
      %ge3A_159 = arith.constant 0 : i32
      %ge3A_160 = vector.broadcast %ge3A_159 : i32 to vector<16xi32>
      %ge3A_161 = arith.cmpi sge, %sub3A_158, %ge3A_160 : vector<16xi32>
      %lt3A_162 = arith.constant 10000 : i32
      %lt3A_163 = vector.broadcast %lt3A_162 : i32 to vector<16xi32>
      %lt3A_164 = arith.cmpi slt, %sub3A_158, %lt3A_163 : vector<16xi32>
      %and3A_165 = arith.andi %ge3A_161, %lt3A_164 : vector<16xi1>
      %jit3A_166 = arith.constant 10000 : i32
      %broadcast_in_dim3A_167 = vector.broadcast %jit3A_166 : i32 to vector<16xi32>
      %select_n3A_168 = arith.select %and3A_165, %sub3A_158, %broadcast_in_dim3A_167 : vector<16xi1>, vector<16xi32>
      %swap3A_169 = arith.constant 128 : index
      %swap3A_170 = tpu.vector_load %arg26[%swap3A_169] {strides = array<i32>} : memref<256xi32, #tpu.memory_space<vmem>>, vector<16xi32>,
      tpu.vector_store %arg26[%swap3A_169], %select_n3A_168 {strides = array<i32>} : memref<256xi32, #tpu.memory_space<vmem>>, vector<16xi32>,
      %get3A_171 = arith.constant 144 : index
      %get3A_172 = tpu.vector_load %arg25[%get3A_171] {strides = array<i32>} : memref<256xi32, #tpu.memory_space<vmem>>, vector<16xi32>,
      %sub3A_173 = arith.constant 0 : i32
      %sub3A_174 = vector.broadcast %sub3A_173 : i32 to vector<16xi32>
      %sub3A_175 = arith.subi %get3A_172, %sub3A_174 : vector<16xi32>
      %ge3A_176 = arith.constant 0 : i32
      %ge3A_177 = vector.broadcast %ge3A_176 : i32 to vector<16xi32>
      %ge3A_178 = arith.cmpi sge, %sub3A_175, %ge3A_177 : vector<16xi32>
      %lt3A_179 = arith.constant 10000 : i32
      %lt3A_180 = vector.broadcast %lt3A_179 : i32 to vector<16xi32>
      %lt3A_181 = arith.cmpi slt, %sub3A_175, %lt3A_180 : vector<16xi32>
      %and3A_182 = arith.andi %ge3A_178, %lt3A_181 : vector<16xi1>
      %jit3A_183 = arith.constant 10000 : i32
      %broadcast_in_dim3A_184 = vector.broadcast %jit3A_183 : i32 to vector<16xi32>
      %select_n3A_185 = arith.select %and3A_182, %sub3A_175, %broadcast_in_dim3A_184 : vector<16xi1>, vector<16xi32>
      %swap3A_186 = arith.constant 144 : index
      %swap3A_187 = tpu.vector_load %arg26[%swap3A_186] {strides = array<i32>} : memref<256xi32, #tpu.memory_space<vmem>>, vector<16xi32>,
      tpu.vector_store %arg26[%swap3A_186], %select_n3A_185 {strides = array<i32>} : memref<256xi32, #tpu.memory_space<vmem>>, vector<16xi32>,
      %get3A_188 = arith.constant 160 : index
      %get3A_189 = tpu.vector_load %arg25[%get3A_188] {strides = array<i32>} : memref<256xi32, #tpu.memory_space<vmem>>, vector<16xi32>,
      %sub3A_190 = arith.constant 0 : i32
      %sub3A_191 = vector.broadcast %sub3A_190 : i32 to vector<16xi32>
      %sub3A_192 = arith.subi %get3A_189, %sub3A_191 : vector<16xi32>
      %ge3A_193 = arith.constant 0 : i32
      %ge3A_194 = vector.broadcast %ge3A_193 : i32 to vector<16xi32>
      %ge3A_195 = arith.cmpi sge, %sub3A_192, %ge3A_194 : vector<16xi32>
      %lt3A_196 = arith.constant 10000 : i32
      %lt3A_197 = vector.broadcast %lt3A_196 : i32 to vector<16xi32>
      %lt3A_198 = arith.cmpi slt, %sub3A_192, %lt3A_197 : vector<16xi32>
      %and3A_199 = arith.andi %ge3A_195, %lt3A_198 : vector<16xi1>
      %jit3A_200 = arith.constant 10000 : i32
      %broadcast_in_dim3A_201 = vector.broadcast %jit3A_200 : i32 to vector<16xi32>
      %select_n3A_202 = arith.select %and3A_199, %sub3A_192, %broadcast_in_dim3A_201 : vector<16xi1>, vector<16xi32>
      %swap3A_203 = arith.constant 160 : index
      %swap3A_204 = tpu.vector_load %arg26[%swap3A_203] {strides = array<i32>} : memref<256xi32, #tpu.memory_space<vmem>>, vector<16xi32>,
      tpu.vector_store %arg26[%swap3A_203], %select_n3A_202 {strides = array<i32>} : memref<256xi32, #tpu.memory_space<vmem>>, vector<16xi32>,
      %get3A_205 = arith.constant 176 : index
      %get3A_206 = tpu.vector_load %arg25[%get3A_205] {strides = array<i32>} : memref<256xi32, #tpu.memory_space<vmem>>, vector<16xi32>,
      %sub3A_207 = arith.constant 0 : i32
      %sub3A_208 = vector.broadcast %sub3A_207 : i32 to vector<16xi32>
      %sub3A_209 = arith.subi %get3A_206, %sub3A_208 : vector<16xi32>
      %ge3A_210 = arith.constant 0 : i32
      %ge3A_211 = vector.broadcast %ge3A_210 : i32 to vector<16xi32>
      %ge3A_212 = arith.cmpi sge, %sub3A_209, %ge3A_211 : vector<16xi32>
      %lt3A_213 = arith.constant 10000 : i32
      %lt3A_214 = vector.broadcast %lt3A_213 : i32 to vector<16xi32>
      %lt3A_215 = arith.cmpi slt, %sub3A_209, %lt3A_214 : vector<16xi32>
      %and3A_216 = arith.andi %ge3A_212, %lt3A_215 : vector<16xi1>
      %jit3A_217 = arith.constant 10000 : i32
      %broadcast_in_dim3A_218 = vector.broadcast %jit3A_217 : i32 to vector<16xi32>
      %select_n3A_219 = arith.select %and3A_216, %sub3A_209, %broadcast_in_dim3A_218 : vector<16xi1>, vector<16xi32>
      %swap3A_220 = arith.constant 176 : index
      %swap3A_221 = tpu.vector_load %arg26[%swap3A_220] {strides = array<i32>} : memref<256xi32, #tpu.memory_space<vmem>>, vector<16xi32>,
      tpu.vector_store %arg26[%swap3A_220], %select_n3A_219 {strides = array<i32>} : memref<256xi32, #tpu.memory_space<vmem>>, vector<16xi32>,
      %get3A_222 = arith.constant 192 : index
      %get3A_223 = tpu.vector_load %arg25[%get3A_222] {strides = array<i32>} : memref<256xi32, #tpu.memory_space<vmem>>, vector<16xi32>,
      %sub3A_224 = arith.constant 0 : i32
      %sub3A_225 = vector.broadcast %sub3A_224 : i32 to vector<16xi32>
      %sub3A_226 = arith.subi %get3A_223, %sub3A_225 : vector<16xi32>
      %ge3A_227 = arith.constant 0 : i32
      %ge3A_228 = vector.broadcast %ge3A_227 : i32 to vector<16xi32>
      %ge3A_229 = arith.cmpi sge, %sub3A_226, %ge3A_228 : vector<16xi32>
      %lt3A_230 = arith.constant 10000 : i32
      %lt3A_231 = vector.broadcast %lt3A_230 : i32 to vector<16xi32>
      %lt3A_232 = arith.cmpi slt, %sub3A_226, %lt3A_231 : vector<16xi32>
      %and3A_233 = arith.andi %ge3A_229, %lt3A_232 : vector<16xi1>
      %jit3A_234 = arith.constant 10000 : i32
      %broadcast_in_dim3A_235 = vector.broadcast %jit3A_234 : i32 to vector<16xi32>
      %select_n3A_236 = arith.select %and3A_233, %sub3A_226, %broadcast_in_dim3A_235 : vector<16xi1>, vector<16xi32>
      %swap3A_237 = arith.constant 192 : index
      %swap3A_238 = tpu.vector_load %arg26[%swap3A_237] {strides = array<i32>} : memref<256xi32, #tpu.memory_space<vmem>>, vector<16xi32>,
      tpu.vector_store %arg26[%swap3A_237], %select_n3A_236 {strides = array<i32>} : memref<256xi32, #tpu.memory_space<vmem>>, vector<16xi32>,
      %get3A_239 = arith.constant 208 : index
      %get3A_240 = tpu.vector_load %arg25[%get3A_239] {strides = array<i32>} : memref<256xi32, #tpu.memory_space<vmem>>, vector<16xi32>,
      %sub3A_241 = arith.constant 0 : i32
      %sub3A_242 = vector.broadcast %sub3A_241 : i32 to vector<16xi32>
      %sub3A_243 = arith.subi %get3A_240, %sub3A_242 : vector<16xi32>
      %ge3A_244 = arith.constant 0 : i32
      %ge3A_245 = vector.broadcast %ge3A_244 : i32 to vector<16xi32>
      %ge3A_246 = arith.cmpi sge, %sub3A_243, %ge3A_245 : vector<16xi32>
      %lt3A_247 = arith.constant 10000 : i32
      %lt3A_248 = vector.broadcast %lt3A_247 : i32 to vector<16xi32>
      %lt3A_249 = arith.cmpi slt, %sub3A_243, %lt3A_248 : vector<16xi32>
      %and3A_250 = arith.andi %ge3A_246, %lt3A_249 : vector<16xi1>
      %jit3A_251 = arith.constant 10000 : i32
      %broadcast_in_dim3A_252 = vector.broadcast %jit3A_251 : i32 to vector<16xi32>
      %select_n3A_253 = arith.select %and3A_250, %sub3A_243, %broadcast_in_dim3A_252 : vector<16xi1>, vector<16xi32>
      %swap3A_254 = arith.constant 208 : index
      %swap3A_255 = tpu.vector_load %arg26[%swap3A_254] {strides = array<i32>} : memref<256xi32, #tpu.memory_space<vmem>>, vector<16xi32>,
      tpu.vector_store %arg26[%swap3A_254], %select_n3A_253 {strides = array<i32>} : memref<256xi32, #tpu.memory_space<vmem>>, vector<16xi32>,
      %get3A_256 = arith.constant 224 : index
      %get3A_257 = tpu.vector_load %arg25[%get3A_256] {strides = array<i32>} : memref<256xi32, #tpu.memory_space<vmem>>, vector<16xi32>,
      %sub3A_258 = arith.constant 0 : i32
      %sub3A_259 = vector.broadcast %sub3A_258 : i32 to vector<16xi32>
      %sub3A_260 = arith.subi %get3A_257, %sub3A_259 : vector<16xi32>
      %ge3A_261 = arith.constant 0 : i32
      %ge3A_262 = vector.broadcast %ge3A_261 : i32 to vector<16xi32>
      %ge3A_263 = arith.cmpi sge, %sub3A_260, %ge3A_262 : vector<16xi32>
      %lt3A_264 = arith.constant 10000 : i32
      %lt3A_265 = vector.broadcast %lt3A_264 : i32 to vector<16xi32>
      %lt3A_266 = arith.cmpi slt, %sub3A_260, %lt3A_265 : vector<16xi32>
      %and3A_267 = arith.andi %ge3A_263, %lt3A_266 : vector<16xi1>
      %jit3A_268 = arith.constant 10000 : i32
      %broadcast_in_dim3A_269 = vector.broadcast %jit3A_268 : i32 to vector<16xi32>
      %select_n3A_270 = arith.select %and3A_267, %sub3A_260, %broadcast_in_dim3A_269 : vector<16xi1>, vector<16xi32>
      %swap3A_271 = arith.constant 224 : index
      %swap3A_272 = tpu.vector_load %arg26[%swap3A_271] {strides = array<i32>} : memref<256xi32, #tpu.memory_space<vmem>>, vector<16xi32>,
      tpu.vector_store %arg26[%swap3A_271], %select_n3A_270 {strides = array<i32>} : memref<256xi32, #tpu.memory_space<vmem>>, vector<16xi32>,
      %get3A_273 = arith.constant 240 : index
      %get3A_274 = tpu.vector_load %arg25[%get3A_273] {strides = array<i32>} : memref<256xi32, #tpu.memory_space<vmem>>, vector<16xi32>,
      %sub3A_275 = arith.constant 0 : i32
      %sub3A_276 = vector.broadcast %sub3A_275 : i32 to vector<16xi32>
      %sub3A_277 = arith.subi %get3A_274, %sub3A_276 : vector<16xi32>
      %ge3A_278 = arith.constant 0 : i32
      %ge3A_279 = vector.broadcast %ge3A_278 : i32 to vector<16xi32>
      %ge3A_280 = arith.cmpi sge, %sub3A_277, %ge3A_279 : vector<16xi32>
      %lt3A_281 = arith.constant 10000 : i32
      %lt3A_282 = vector.broadcast %lt3A_281 : i32 to vector<16xi32>
      %lt3A_283 = arith.cmpi slt, %sub3A_277, %lt3A_282 : vector<16xi32>
      %and3A_284 = arith.andi %ge3A_280, %lt3A_283 : vector<16xi1>
      %jit3A_285 = arith.constant 10000 : i32
      %broadcast_in_dim3A_286 = vector.broadcast %jit3A_285 : i32 to vector<16xi32>
      %select_n3A_287 = arith.select %and3A_284, %sub3A_277, %broadcast_in_dim3A_286 : vector<16xi1>, vector<16xi32>
      %swap3A_288 = arith.constant 240 : index
      %swap3A_289 = tpu.vector_load %arg26[%swap3A_288] {strides = array<i32>} : memref<256xi32, #tpu.memory_space<vmem>>, vector<16xi32>,
      tpu.vector_store %arg26[%swap3A_288], %select_n3A_287 {strides = array<i32>} : memref<256xi32, #tpu.memory_space<vmem>>, vector<16xi32>,
      "tpu.region"() ({
        %run_scoped3A = tpu.sem_alloc : memref<!tpu.dma_semaphore, #tpu.memory_space<semaphore_mem>>
        %dma_start3A = arith.constant 0 : i32
        %dma_start3A_290 = arith.constant 0 : i32
        %dma_start3A_291 = tpu.memref_slice %arg45[%dma_start3A, %dma_start3A_290] : memref<10016x16xf32, #tpu.memory_space<vmem_shared>> -> memref<10016x16xf32, #tpu.memory_space<vmem_shared>>
        tpu.enqueue_indirect_dma source(%arg43 : memref<256x16xf32, #tpu.memory_space<vmem>>) target(%dma_start3A_291 : memref<10016x16xf32, #tpu.memory_space<vmem_shared>>) offsets(%arg26 : memref<256xi32, #tpu.memory_space<vmem>>) semaphore(%run_scoped3A : memref<!tpu.dma_semaphore, #tpu.memory_space<semaphore_mem>>) {add = true}
        %dma_wait3A = arith.constant 0 : i32
        %dma_wait3A_292 = arith.constant 0 : i32
        %dma_wait3A_293 = tpu.memref_slice %arg45[%dma_wait3A, %dma_wait3A_292] : memref<10016x16xf32, #tpu.memory_space<vmem_shared>> -> memref<10016x16xf32, #tpu.memory_space<vmem_shared>>
        tpu.wait_indirect_dma semaphore(%run_scoped3A : memref<!tpu.dma_semaphore, #tpu.memory_space<semaphore_mem>>) src(%arg43 : memref<256x16xf32, #tpu.memory_space<vmem>>) dst(%dma_wait3A_293 : memref<10016x16xf32, #tpu.memory_space<vmem_shared>>)
        tpu.yield
      }) : () -> ()
    }
    %scan3A_14 = arith.constant 40 : i32
    %barrier3A_15 = arith.constant 0 : index
    tpu.barrier barrier_id(%barrier3A_15)
    %eq3A_16 = arith.constant 0 : i32
    %eq3A_17 = arith.cmpi eq, %arg1, %eq3A_16 : i32
    %convert_element_type3A_18 = arith.extui %eq3A_17 : i1 to i32
    %cond3A_19 = arith.constant 0 : i32
    %cond3A_20 = arith.cmpi ne, %convert_element_type3A_18, %cond3A_19 : i32
    scf.if %cond3A_20 {
      "tpu.region"() ({
        %run_scoped3A = tpu.sem_alloc : memref<!tpu.dma_semaphore, #tpu.memory_space<semaphore_mem>>
        %dma_start3A = arith.constant 0 : i32
        %dma_start3A_21 = arith.constant 0 : i32
        %dma_start3A_22 = tpu.memref_slice %arg23[%arg0, %dma_start3A, %dma_start3A_21] : memref<2x10000x16xf32, #tpu.memory_space<hbm>> -> memref<1x10000x16xf32, #tpu.memory_space<hbm>>
        %dma_start3A_23 = tpu.memref_squeeze %dma_start3A_22 : memref<1x10000x16xf32, #tpu.memory_space<hbm>> -> memref<10000x16xf32, #tpu.memory_space<hbm>>
        %dma_start3A_24 = arith.constant 0 : i32
        %dma_start3A_25 = arith.constant 0 : i32
        %dma_start3A_26 = tpu.memref_slice %arg45[%dma_start3A_24, %dma_start3A_25] : memref<10016x16xf32, #tpu.memory_space<vmem_shared>> -> memref<10000x16xf32, #tpu.memory_space<vmem_shared>>
        tpu.enqueue_dma source(%dma_start3A_26 : memref<10000x16xf32, #tpu.memory_space<vmem_shared>>) target(%dma_start3A_23 : memref<10000x16xf32, #tpu.memory_space<hbm>>) target_semaphore(%run_scoped3A : memref<!tpu.dma_semaphore, #tpu.memory_space<semaphore_mem>>)
        %dma_wait3A = arith.constant 0 : i32
        %dma_wait3A_27 = arith.constant 0 : i32
        %dma_wait3A_28 = tpu.memref_slice %arg23[%arg0, %dma_wait3A, %dma_wait3A_27] : memref<2x10000x16xf32, #tpu.memory_space<hbm>> -> memref<1x10000x16xf32, #tpu.memory_space<hbm>>
        %dma_wait3A_29 = tpu.memref_squeeze %dma_wait3A_28 : memref<1x10000x16xf32, #tpu.memory_space<hbm>> -> memref<10000x16xf32, #tpu.memory_space<hbm>>
        %dma_wait3A_30 = arith.constant 0 : i32
        %dma_wait3A_31 = arith.constant 0 : i32
        %dma_wait3A_32 = tpu.memref_slice %arg45[%dma_wait3A_30, %dma_wait3A_31] : memref<10016x16xf32, #tpu.memory_space<vmem_shared>> -> memref<10000x16xf32, #tpu.memory_space<vmem_shared>>
        tpu.wait_dma2 semaphore(%run_scoped3A : memref<!tpu.dma_semaphore, #tpu.memory_space<semaphore_mem>>) src(%dma_wait3A_32 : memref<10000x16xf32, #tpu.memory_space<vmem_shared>>) dst(%dma_wait3A_29 : memref<10000x16xf32, #tpu.memory_space<hbm>>)
        tpu.yield
      }) : () -> ()
    } else {
    }
    return
  }
}

</mosaic_0001>

<sc_bundles>
// kernel: _sc_p1.3.cloned.1.call-start
scs
__scs_entry_jumppad:
0x0: {  	(pc) =	sbr.rel $0x88, $3  }
0x1: {  	(tag) =	ssettag $0x0;
	lr =	simm.s32 $0x1  }
0x2: {  	[smem:$0x3F8D] =	sst lr;
	_ =	strace $0xD0000000  }
0x3: {  	_ = 	snop  }
0x4: {  	_ = 	snop  }
0x5: {  	_ = 	snop  }
0x6: {  	_ = 	snop  }
0x7: {  	_ = 	snop  }
__scs_overlays_trampoline_lowered:
0x8: {  	[smem:$0x3F9C] =	sst s0  }
0x9: {  	[smem:$0x3F9D] =	sst s1  }
0xa: {  	[smem:$0x3F9E] =	sst s2  }
0xb: {  	[smem:$0x3F9F] =	sst s3  }
0xc: {  	[smem:$0x3FA0] =	sst s4  }
0xd: {  	[smem:$0x3FA1] =	sst s5  }
0xe: {  	[smem:$0x3FA2] =	sst s6  }
0xf: {  	[smem:$0x3FA3] =	sst s7  }
0x10: {  	[smem:$0x3FA4] =	sst s8  }
0x11: {  	[smem:$0x3FA5] =	sst s9;
	s0 =	simm.s32 @!p0 $0x0  }
0x12: {  	s1 =	sld [smem:$0x3F8B];
	s0 =	simm.s32 @p0 $0x1  }
0x13: {  	[smem:$0x3FA6] =	sst s0;
	s0 =	simm.s32 @!p1 $0x0  }
0x14: {  	s2 =	sld [smem:$0x3F8A];
	s0 =	simm.s32 @p1 $0x1  }
0x15: {  	[smem:$0x3FA7] =	sst s0;
	s0 =	simm.s32 @!p2 $0x0  }
0x16: {  	s3 =	sld [smem:$0x3FDB];
	s0 =	simm.s32 @p2 $0x1  }
0x17: {  	s4 =	simm.s32 $0x1BF5;
	[smem:$0x3FA9] =	sst s0  }
0x18: {  	s0 =	sld [smem:$0x3F8C];
	_ =	swait.ge [sflag:s4], $0x0  }
0x19: {  	s7 =	sld [smem:$0x3F8D]  }
0x1a: {  	s8 =	sadd.s32 $0xFFFFE003, lr  }
0x1b: {  	s9 =	sadd.s32 $0xFFFFFEF7, lr;
	s5 =	simm.s32 $0xFFFFFFFF;
	p2 =	slt.u32 s8, $0xFFFFF086  }
0x1c: {  	p1 =	slt.u32 s9, $0xF7A;
	s5 =	simm.s32 @!p2 $0x0  }
0x1d: {  	s5 =	simm.s32 @p1 $0x1;
	p0 =	seq.s32 s7, s2  }
0x1e: {  	s7 =	smul.u32 @!p0 $0xF7A, s2;
	p2 =	seq.s32 @!p0 s5, $0x0  }
0x1f: {  	s9 =	smul.u32 $0xF7A, s1;
	s8 =	simm.s32 @!p0 $0x1BF5;
	p2 =	por !p2, p0  }
0x20: {  	[sflag:s8] =	ssyncset.s32 @!p0 $0xFFFFF086;
	s6 =	sadd.s32 @!p0 s3, s7;
	s7 =	simm.s32 @!p0 $0x108  }
0x21: {  	s3 =	sadd.s32 s3, s9;
	s6 =	sadd.s32 @!p0 $0x88, s6;
	s7 =	simm.s32 @p2 $0x1082  }
0x22: {  	[simem:s7], [sflag:s8] =	dma.local @!p0 [hbm:s6], $0xF7A  }
0x23: {  	s9 =	sor.u32 $0xD0000000, s2;
	s6 =	simm.s32 $0x108;
	_ =	swait.ge @!p0 [sflag:s8], $0x0  }
0x24: {  	s3 =	sadd.s32 $0x88, s3;
	s6 =	simm.s32 @!p1 $0x1082;
	[sflag:s4] =	ssyncset.s32 $0xFFFFF086  }
0x25: {  	[simem:s6], [sflag:s4] =	dma.local [hbm:s3], $0xF7A  }
0x26: {  	[smem:$0x3F8D] =	sst s1;
	(tag) =	ssettag s2;
	_ =	strace s9  }
0x27: {  	s1 =	sld [smem:$0x3F9D]  }
0x28: {  	s2 =	sld [smem:$0x3F9E]  }
0x29: {  	s4 =	sld [smem:$0x3FA0]  }
0x2a: {  	p0 =	seq.s32 s5, $0x0;
	s5 =	sld [smem:$0x3FA1]  }
0x2b: {  	s6 =	sld [smem:$0x3FA2]  }
0x2c: {  	s7 =	sld [smem:$0x3FA3]  }
0x2d: {  	s3 =	simm.s32 $0x108;
	s8 =	sld [smem:$0x3FA4]  }
0x2e: {  	s3 =	simm.s32 @!p0 $0x1082;
	s9 =	sld [smem:$0x3FA5]  }
0x2f: {  	lr =	sadd.s32 s0, s3;
	s0 =	sld [smem:$0x3F9C]  }
0x30: {  	s3 =	sld [smem:$0x3F9F]  }
0x31: {  	[smem:$0x3FA8] =	sst s10  }
0x32: {  	s10 =	sld [smem:$0x3FA6];
	_ =	sdelay $0x3  }
0x33: {  	p0 =	seq.s32 s10, $0x1;
	s10 =	sld [smem:$0x3FA8];
	_ =	sdelay $0x3  }
0x34: {  	[smem:$0x3FA8] =	sst s10  }
0x35: {  	s10 =	sld [smem:$0x3FA7];
	_ =	sdelay $0x3  }
0x36: {  	p1 =	seq.s32 s10, $0x1;
	s10 =	sld [smem:$0x3FA8];
	_ =	sdelay $0x3  }
0x37: {  	[smem:$0x3FA8] =	sst s10  }
0x38: {  	s10 =	sld [smem:$0x3FA9]  }
0x39: {  	_ = 	snop;
	(pc) =	sbr.ind lr, $3  }
0x3a: {  	_ = 	snop  }
0x3b: {  	_ = 	snop  }
0x3c: {  	p2 =	seq.s32 s10, $0x1;
	s10 =	sld [smem:$0x3FA8]  }
0x3d: {  	_ =	shalt  }
0x3e: {  	_ =	shalt  }
0x3f: {  	_ =	shalt  }
0x40: {  	_ =	shalt  }
0x41: {  	_ =	shalt  }
0x42: {  	_ =	shalt  }
0x43: {  	_ =	shalt  }
0x44: {  	_ =	shalt  }
0x45: {  	_ =	shalt  }
0x46: {  	_ =	shalt  }
0x47: {  	_ =	shalt  }
0x48: {  	_ =	shalt  }
0x49: {  	_ =	shalt  }
0x4a: {  	_ =	shalt  }
0x4b: {  	_ =	shalt  }
0x4c: {  	_ =	shalt  }
0x4d: {  	_ =	shalt  }
0x4e: {  	_ =	shalt  }
0x4f: {  	_ =	shalt  }
0x50: {  	_ =	shalt  }
0x51: {  	_ =	shalt  }
0x52: {  	_ =	shalt  }
0x53: {  	_ =	shalt  }
0x54: {  	_ =	shalt  }
0x55: {  	_ =	shalt  }
0x56: {  	_ =	shalt  }
0x57: {  	_ =	shalt  }
0x58: {  	_ =	shalt  }
0x59: {  	_ =	shalt  }
0x5a: {  	_ =	shalt  }
0x5b: {  	_ =	shalt  }
0x5c: {  	_ =	shalt  }
0x5d: {  	_ =	shalt  }
0x5e: {  	_ =	shalt  }
0x5f: {  	_ =	shalt  }
0x60: {  	_ =	shalt  }
0x61: {  	_ =	shalt  }
0x62: {  	_ =	shalt  }
0x63: {  	_ =	shalt  }
0x64: {  	_ =	shalt  }
0x65: {  	_ =	shalt  }
0x66: {  	_ =	shalt  }
0x67: {  	_ =	shalt  }
0x68: {  	_ =	shalt  }
0x69: {  	_ =	shalt  }
0x6a: {  	_ =	shalt  }
0x6b: {  	_ =	shalt  }
0x6c: {  	_ =	shalt  }
0x6d: {  	_ =	shalt  }
0x6e: {  	_ =	shalt  }
0x6f: {  	_ =	shalt  }
0x70: {  	_ =	shalt  }
0x71: {  	_ =	shalt  }
0x72: {  	_ =	shalt  }
0x73: {  	_ =	shalt  }
0x74: {  	_ =	shalt  }
0x75: {  	_ =	shalt  }
0x76: {  	_ =	shalt  }
0x77: {  	_ =	shalt  }
0x78: {  	_ =	shalt  }
0x79: {  	_ =	shalt  }
0x7a: {  	_ =	shalt  }
0x7b: {  	_ =	shalt  }
0x7c: {  	_ =	shalt  }
0x7d: {  	_ =	shalt  }
0x7e: {  	_ =	shalt  }
0x7f: {  	_ =	shalt  }
0x80: {  	_ =	shalt  }
0x81: {  	_ =	shalt  }
0x82: {  	_ =	shalt  }
0x83: {  	_ =	shalt  }
0x84: {  	_ =	shalt  }
0x85: {  	_ =	shalt  }
0x86: {  	_ =	shalt  }
0x87: {  	_ =	shalt  }
.Lfunc_end0:
.L_simem_size_0:
called_computation_lowered:
.L_overlay_start_0:
0x88: {  	s2 =	sld [smem:$0x3FD9]  }
0x89: {  	s3 =	sld [smem:$0x3FFE];
	_ =	sdelay $0x1  }
0x8a: {  	s1 =	srdreg.scid  }
0x8b: {  	s0 =	sand.u32 $0x1, s1  }
0x8c: {  	s14 =	sshll.u32 s0, $0xA;
	s2 =	sadd.s32 s3, s2  }
0x8d: {  	s2 =	sadd.s32 s2, s14  }
0x8e: {  	[smem:$0x3FB4] =	sst s2  }
0x8f: {  	_ = 	snop  }
0x90: {  	s2 =	sld [smem:$0x3FD0]  }
0x91: {  	s15 =	sld [smem:$0x3FC9]  }
0x92: {  	s4 =	sld [smem:$0x3FC8]  }
0x93: {  	s6 =	simm.s32 $0xA;
	s7 =	simm.s32 $0x10;
	s5 =	sld [smem:$0x3FC7]  }
0x94: {  	[smem:s7], [sflag:s6] =	dma.local [hbm:s2], $0x1  }
0x95: {  	_ =	swait.eq [sflag:s6], $0x1  }
0x96: {  	[sflag:s6] =	ssyncset.done $0x0  }
0x97: {  	s16 =	sld [smem:$0x10];
	[sflag:s6] =	ssyncadd.s32 $0xFFFFFFFF  }
0x98: {  	s17 =	sld [smem:$0x11];
	(tm) =	ssettm $0x1  }
0x99: {  	s18 =	sld [smem:$0x3FFB];
	_ =	sdelay $0x3  }
0x9a: {  	_ =	strace s18  }
0x9b: {  	s7 =	sld [smem:$0x3FFC];
	_ =	sdelay $0x3  }
0x9c: {  	_ =	strace s7  }
0x9d: {  	s7 =	sld [smem:$0x3FFD];
	_ =	sdelay $0x3  }
0x9e: {  	_ =	strace s7  }
0x9f: {  	_ =	strace $0x8FFFFFFF  }
0xa0: {  	s19 =	sld [smem:$0x3FDB];
	_ =	sdelay $0x1  }
0xa1: {  	s8 =	simm.s32 $_scs_section_size  }
0xa2: {  	s9 =	simm.s32 $_size__tile_overlayer_lowered;
	s10 =	simm.s32 $_tile_overlayer_lowered  }
0xa3: {  	s22 =	simm.s32 $0x1BFF;
	s21 =	sshll.u32 s10, $0x1;
	s7 =	sadd.s32 s8, s19  }
0xa4: {  	s11 =	simm.s32 $0x0;
	s20 =	sshll.u32 s9, $0x1;
	s9 =	sadd.s32 s21, s7  }
0xa5: {  	[timem:s11], [sflag:s22] =	dma.local [hbm:s9], s20  }
0xa6: {  	_ =	swait.ge [sflag:s22], s20  }
0xa7: {  	s8 =	ssub.s32 $0x0, s20;
	[sflag:s22] =	ssyncset.done $0x0  }
0xa8: {  	[sflag:s22] =	ssyncadd.s32 s8;
	_ =	sdelay $0x1  }
0xa9: {  	s23 =	simm.s32 $0x1B8B  }
0xaa: {  	_ =	swait.ge [sflag:s23], $0x1  }
0xab: {  	[sflag:s23] =	ssyncset.done $0x0  }
0xac: {  	s25 =	simm.s32 $0x1B8E;
	s24 =	sld [smem:$0x3FFE];
	[sflag:s23] =	ssyncadd.s32 $0xFFFFFFFF  }
0xad: {  	s26 =	simm.s32 $execute0_lowered;
	[smem:$0x3FD2] =	sst s25  }
0xae: {  	s9 =	sshll.u32 s26, $0x1;
	_ =	strace $0x80000046;
	[dreg:$0x1] =	wrdreg $0xFFFFFFFF  }
0xaf: {  	s28 =	simm.s32 $_size_execute0_lowered;
	s7 =	sadd.s32 s7, s9;
	[dreg:$0x0] =	wrdreg $0x0  }
0xb0: {  	s9 =	sshll.u32 s28, $0x1;
	[dreg:$0x2] =	wrdreg s7  }
0xb1: {  	[dreg:$0x3] =	wrdreg s9  }
0xb2: {  	[dreg:$0x4] =	wrdreg $0xC0  }
0xb3: {  	_ =	task [dreg:s11], $0x5FFFF  }
0xb4: {  	[dreg:$0x1] =	wrdreg $0xFFFFFFFF  }
0xb5: {  	[dreg:$0x0] =	wrdreg $0x60  }
0xb6: {  	[dreg:$0x2] =	wrdreg s15  }
0xb7: {  	[dreg:$0x3] =	wrdreg s4  }
0xb8: {  	[dreg:$0x4] =	wrdreg s5  }
0xb9: {  	[dreg:$0x5] =	wrdreg s24  }
0xba: {  	[dreg:$0x6] =	wrdreg s16  }
0xbb: {  	[dreg:$0x7] =	wrdreg s17  }
0xbc: {  	[dreg:$0x8] =	wrdreg $0x113800  }
0xbd: {  	[dreg:$0x9] =	wrdreg $0x9  }
0xbe: {  	_ =	task.clear_ibuf [dreg:s11], $0xAFFFF;
	_ =	strace $0x90000046  }
0xbf: {  	s29 =	simm.s32 $0x9;
	_ =	strace $0x80000048  }
0xc0: {  	_ =	swait.ge [sflag:s29], $0x1  }
0xc1: {  	[sflag:s29] =	ssyncadd.s32 $0xFFFFFFFF  }
0xc2: {  	_ =	strace $0x90000048  }
0xc3: {  	_ =	sfence  }
0xc4: {  	s30 =	sld [smem:$0x0];
	_ =	sdelay $0x2  }
0xc5: {  	s31 =	sshll.u32 s1, $0xD;
	s1 =	sshrl.u32 s1, $0x2  }
0xc6: {  	s3 =	sand.u32 $0x4000, s31;
	s1 =	sadd.s32 s1, s30  }
0xc7: {  	s0 =	sor.u32 s3, s0;
	s1 =	sshll.u32 s1, $0x11  }
0xc8: {  	s0 =	sor.u32 s1, s0  }
0xc9: {  	s0 =	sadd.s32 $0x8F2B, s0  }
0xca: {  	[sflag:s0] =	ssyncadd.remote.s32 $0x1  }
0xcb: {  	_ =	sfence.sel $0xFFFF  }
0xcc: {  	[dreg:$0x0] =	wrdreg $0xFFFFFFFF;
	(pc) =	sbr.abs _section_cstart, $3  }
0xcd: {  	[dreg:$0x1] =	wrdreg $0xFFFFFFFF  }
0xce: {  	_ =	task.clear_ibuf [dreg:s11], $0x2FFFF;
	_ =	strace $0x9FFFFFFF  }
0xcf: {  	(tm) =	ssettm $0x7FFFFFFF  }
tec
execute0_lowered:
.L_overlay_start_1:
0x0: {  	(tag) =	ssettag $0x1  }
0x1: {  	s8 =	rddreg [dreg:$0x0]  }
0x2: {  	s20 =	rddreg [dreg:$0x1]  }
0x3: {  	s0 =	rddreg [dreg:$0x3]  }
0x4: {  	s21 =	rddreg [dreg:$0x4]  }
0x5: {  	s1 =	rddreg [dreg:$0x5]  }
0x6: {  	s5 =	rddreg [dreg:$0x6];
	s6 =	simm.s32 $0x0  }
0x7: {  	s28 =	srdreg.scid;
	s4 =	stileid.u32;
	s31 =	simm.s32 $0x2  }
0x8: {  	[smem:$0x7FF] =	sst s6;
	s2 =	sadd.s32 $0x2AA00, s0;
	s26 =	sadd.s32 $0x25A00, s0  }
0x9: {  	s9 =	sadd.s32 $0x20A00, s0;
	s10 =	sadd.s32 $0x1BA00, s0;
	s11 =	sadd.s32 $0x16A00, s0  }
0xa: {  	s12 =	sadd.s32 $0x11A00, s0;
	s13 =	sadd.s32 $0xCA00, s0;
	s19 =	smul.u32 $0x5000, s4  }
0xb: {  	s14 =	sadd.s32 $0x7A00, s0;
	s15 =	sadd.s32 $0x2A00, s0;
	s23 =	smul.u32 $0x2800, s4  }
0xc: {  	_ =	strace $0x80000047;
	[dreg:$0x8] =	wrdreg s2;
	s2 =	sand.u32 $0x1, s28  }
0xd: {  	s16 =	sadd.s32 $0x52A00, s0;
	p0 =	sne.s32 s4, $0x0;
	s3 =	smul.u32 $0x4E20, s2  }
0xe: {  	[dreg:$0x9] =	wrdreg s26;
	s7 =	ssub.s32 $0x2, s2;
	s17 =	smul.u32 $0x50000, s2  }
0xf: {  	s30 =	smul.u32 $0x28000, s2;
	s24 =	sshll.u32 s2, $0x4;
	s18 =	sshrl.u32 s7, $0x1  }
0x10: {  	s2 =	simm.s32 $0x100;
	s7 =	ssub.s32 s7, s18;
	s1 =	sadd.s32 s1, s3  }
0x11: {  	s22 =	sadd.s32 s17, s21;
	s25 =	sadd.s32 s23, s30;
	s18 =	smov.u32 s20  }
0x12: {  	s20 =	sadd.s32 $0x48A00, s0;
	s21 =	sadd.s32 $0x43A00, s0;
	s23 =	sadd.s32 $0x39A00, s0  }
0x13: {  	s3 =	simm.s32 $0x200;
	s17 =	simm.s32 $0x0;
	[dreg:$0xa] =	wrdreg s1  }
0x14: {  	s1 =	sadd.s32 s19, s22;
	s19 =	sadd.s32 $0x4DA00, s0;
	s22 =	sadd.s32 $0x3EA00, s0  }
0x15: {  	s28 =	smax.u32 s7, $0x1;
	s30 =	sshrl.u32 s25, $0x3;
	[dreg:$0xb] =	wrdreg s1  }
0x16: {  	s1 =	sor.u32 s4, s24;
	s24 =	sadd.s32 $0x34A00, s0;
	s0 =	sadd.s32 $0x2FA00, s0  }
0x17: {  	vm0 =	vcmask $0x704;
	v0 =	vimm.f32 $0.0e+00;
	vm2 =	vcmask $0xB08;
	[dreg:$0xd] =	wrdreg s28;
	s29 =	sadd.s32 s30, s18;
	s4 =	simm.s32 $0x10300  }
0x18: {  	vm1 =	vcmask $0x3F04;
	v0 =	vsel vm2, $0x3F800000, v0;
	vm2 =	vmmov $0x3;
	[dreg:$0xc] =	wrdreg s0;
	s26 =	smul.u32 $0x2800, s1;
	s1 =	simm.s32 $0x1  }
.LBB2_1:
0x19: {  	[dreg:$0xe] =	wrdreg s17  }
0x1a: {  	s0 =	rddreg [dreg:$0x2];
	s7 =	simm.s32 $0x11300  }
0x1b: {  	[tilespmem:s7], [sflag:$0x2] =	stream.linear.gather [hbm4b:s0+s6], $0x80, $0x38;
	[tilespmem:$0x13AA0] =	vst v63  }
0x1c: {  	_ =	swait.ge [sflag:s31], $0x80  }
0x1d: {  	[sflag:s31] =	ssyncset.done $0x0  }
0x1e: {  	s30 =	simm.s32 $0x0;
	[sflag:s31] =	ssyncadd.s32 $0xFFFFFF80  }
.LBB2_2:
0x1f: {  	s0 =	sshll.u32 s30, $0x8  }
0x20: {  	s17 =	sadd.s32 s26, s0  }
0x21: {  	s0 =	sshrl.u32 s17, $0x3  }
0x22: {  	s25 =	simm.s32 $0x0;
	s7 =	sadd.s32 s8, s0  }
0x23: {  	[tilespmem:s25], [sflag:$0x2] =	stream.linear.gather [hbm4b:s7+s25], $0x100, $0x38;
	[tilespmem:$0x13AA0] =	vst v63  }
0x24: {  	_ =	swait.ge [sflag:s31], $0x100  }
0x25: {  	[sflag:s31] =	ssyncset.done $0x0  }
0x26: {  	s0 =	sadd.s32 s18, s0;
	[sflag:s31] =	ssyncadd.s32 $0xFFFFFF00  }
0x27: {  	[tilespmem:s2], [sflag:$0x2] =	stream.linear.gather [hbm4b:s0+s25], $0x100, $0x38;
	[tilespmem:$0x13AA0] =	vst v63  }
0x28: {  	_ =	swait.ge [sflag:s31], $0x100  }
0x29: {  	[sflag:s31] =	ssyncset.done $0x0  }
0x2a: {  	s28 =	simm.s32 $0x300;
	s7 =	rddreg [dreg:$0x8];
	[sflag:s31] =	ssyncadd.s32 $0xFFFFFF00  }
0x2b: {  	[tilespmem:s28], [sflag:$0x1] =	stream.indirect.gather [hbm4b:s7+s2], $0x10, s25, s2, $0xb8;
	[tilespmem:$0x13AA0] =	vst v63  }
0x2c: {  	s7 =	rddreg [dreg:$0x9];
	s28 =	simm.s32 $0x1300  }
0x2d: {  	[tilespmem:s28], [sflag:$0x1] =	stream.indirect.gather [hbm4b:s7+s2], $0x10, s25, s2, $0xb8;
	[tilespmem:$0x13AA0] =	vst v63  }
0x2e: {  	s7 =	simm.s32 $0x2300  }
0x2f: {  	[tilespmem:s7], [sflag:$0x1] =	stream.indirect.gather [hbm4b:s9+s2], $0x10, s25, s2, $0xb8;
	[tilespmem:$0x13AA0] =	vst v63  }
0x30: {  	s28 =	simm.s32 $0x3300  }
0x31: {  	[tilespmem:s28], [sflag:$0x1] =	stream.indirect.gather [hbm4b:s10+s2], $0x10, s25, s2, $0xb8;
	[tilespmem:$0x13AA0] =	vst v63  }
0x32: {  	s7 =	simm.s32 $0x4300  }
0x33: {  	[tilespmem:s7], [sflag:$0x1] =	stream.indirect.gather [hbm4b:s11+s2], $0x10, s25, s2, $0xb8;
	[tilespmem:$0x13AA0] =	vst v63  }
0x34: {  	s28 =	simm.s32 $0x5300  }
0x35: {  	[tilespmem:s28], [sflag:$0x1] =	stream.indirect.gather [hbm4b:s12+s2], $0x10, s25, s2, $0xb8;
	[tilespmem:$0x13AA0] =	vst v63  }
0x36: {  	s7 =	simm.s32 $0x6300  }
0x37: {  	[tilespmem:s7], [sflag:$0x1] =	stream.indirect.gather [hbm4b:s13+s2], $0x10, s25, s2, $0xb8;
	[tilespmem:$0x13AA0] =	vst v63  }
0x38: {  	s28 =	simm.s32 $0x7300  }
0x39: {  	[tilespmem:s28], [sflag:$0x1] =	stream.indirect.gather [hbm4b:s14+s2], $0x10, s25, s2, $0xb8;
	[tilespmem:$0x13AA0] =	vst v63  }
0x3a: {  	s7 =	simm.s32 $0x8300  }
0x3b: {  	[tilespmem:s7], [sflag:$0x1] =	stream.indirect.gather [hbm4b:s15+s2], $0x10, s2, s2, $0xb8;
	[tilespmem:$0x13AA0] =	vst v63  }
0x3c: {  	s28 =	simm.s32 $0x9300  }
0x3d: {  	[tilespmem:s28], [sflag:$0x1] =	stream.indirect.gather [hbm4b:s16+s2], $0x10, s2, s2, $0xb8;
	[tilespmem:$0x13AA0] =	vst v63  }
0x3e: {  	s7 =	simm.s32 $0xA300  }
0x3f: {  	[tilespmem:s7], [sflag:$0x1] =	stream.indirect.gather [hbm4b:s19+s2], $0x10, s2, s2, $0xb8;
	[tilespmem:$0x13AA0] =	vst v63  }
0x40: {  	s28 =	simm.s32 $0xB300  }
0x41: {  	[tilespmem:s28], [sflag:$0x1] =	stream.indirect.gather [hbm4b:s20+s2], $0x10, s2, s2, $0xb8;
	[tilespmem:$0x13AA0] =	vst v63  }
0x42: {  	s7 =	simm.s32 $0xC300  }
0x43: {  	[tilespmem:s7], [sflag:$0x1] =	stream.indirect.gather [hbm4b:s21+s2], $0x10, s2, s2, $0xb8;
	[tilespmem:$0x13AA0] =	vst v63  }
0x44: {  	s28 =	simm.s32 $0xD300  }
0x45: {  	[tilespmem:s28], [sflag:$0x1] =	stream.indirect.gather [hbm4b:s22+s2], $0x10, s2, s2, $0xb8;
	[tilespmem:$0x13AA0] =	vst v63  }
0x46: {  	s7 =	simm.s32 $0xE300  }
0x47: {  	[tilespmem:s7], [sflag:$0x1] =	stream.indirect.gather [hbm4b:s23+s2], $0x10, s2, s2, $0xb8;
	[tilespmem:$0x13AA0] =	vst v63  }
0x48: {  	s28 =	simm.s32 $0xF300  }
0x49: {  	[tilespmem:s28], [sflag:$0x1] =	stream.indirect.gather [hbm4b:s24+s2], $0x10, s2, s2, $0xb8;
	[tilespmem:$0x13AA0] =	vst v63  }
0x4a: {  	_ =	swait.ge [sflag:s1], $0x1000  }
0x4b: {  	[sflag:s1] =	ssyncset.done $0x0  }
0x4c: {  	[sflag:s1] =	ssyncadd.s32 $0xFFFFF000  }
0x4d: {  	_ =	swait.ge [sflag:s1], $0x1000  }
0x4e: {  	[sflag:s1] =	ssyncset.done $0x0  }
0x4f: {  	[sflag:s1] =	ssyncadd.s32 $0xFFFFF000  }
0x50: {  	_ =	swait.ge [sflag:s1], $0x1000  }
0x51: {  	[sflag:s1] =	ssyncset.done $0x0  }
0x52: {  	[sflag:s1] =	ssyncadd.s32 $0xFFFFF000  }
0x53: {  	_ =	swait.ge [sflag:s1], $0x1000  }
0x54: {  	[sflag:s1] =	ssyncset.done $0x0  }
0x55: {  	[sflag:s1] =	ssyncadd.s32 $0xFFFFF000  }
0x56: {  	_ =	swait.ge [sflag:s1], $0x1000  }
0x57: {  	[sflag:s1] =	ssyncset.done $0x0  }
0x58: {  	[sflag:s1] =	ssyncadd.s32 $0xFFFFF000  }
0x59: {  	_ =	swait.ge [sflag:s1], $0x1000  }
0x5a: {  	[sflag:s1] =	ssyncset.done $0x0  }
0x5b: {  	[sflag:s1] =	ssyncadd.s32 $0xFFFFF000  }
0x5c: {  	_ =	swait.ge [sflag:s1], $0x1000  }
0x5d: {  	[sflag:s1] =	ssyncset.done $0x0  }
0x5e: {  	[sflag:s1] =	ssyncadd.s32 $0xFFFFF000  }
0x5f: {  	_ =	swait.ge [sflag:s1], $0x1000  }
0x60: {  	[sflag:s1] =	ssyncset.done $0x0  }
0x61: {  	[sflag:s1] =	ssyncadd.s32 $0xFFFFF000  }
0x62: {  	_ =	swait.ge [sflag:s1], $0x1000  }
0x63: {  	[sflag:s1] =	ssyncset.done $0x0  }
0x64: {  	[sflag:s1] =	ssyncadd.s32 $0xFFFFF000  }
0x65: {  	_ =	swait.ge [sflag:s1], $0x1000  }
0x66: {  	[sflag:s1] =	ssyncset.done $0x0  }
0x67: {  	[sflag:s1] =	ssyncadd.s32 $0xFFFFF000  }
0x68: {  	_ =	swait.ge [sflag:s1], $0x1000  }
0x69: {  	[sflag:s1] =	ssyncset.done $0x0  }
0x6a: {  	[sflag:s1] =	ssyncadd.s32 $0xFFFFF000  }
0x6b: {  	_ =	swait.ge [sflag:s1], $0x1000  }
0x6c: {  	[sflag:s1] =	ssyncset.done $0x0  }
0x6d: {  	[sflag:s1] =	ssyncadd.s32 $0xFFFFF000  }
0x6e: {  	_ =	swait.ge [sflag:s1], $0x1000  }
0x6f: {  	[sflag:s1] =	ssyncset.done $0x0  }
0x70: {  	[sflag:s1] =	ssyncadd.s32 $0xFFFFF000  }
0x71: {  	_ =	swait.ge [sflag:s1], $0x1000  }
0x72: {  	[sflag:s1] =	ssyncset.done $0x0  }
0x73: {  	[sflag:s1] =	ssyncadd.s32 $0xFFFFF000  }
0x74: {  	_ =	swait.ge [sflag:s1], $0x1000  }
0x75: {  	[sflag:s1] =	ssyncset.done $0x0  }
0x76: {  	[sflag:s1] =	ssyncadd.s32 $0xFFFFF000  }
0x77: {  	_ =	swait.ge [sflag:s1], $0x1000  }
0x78: {  	[sflag:s1] =	ssyncset.done $0x0  }
0x79: {  	[sflag:s1] =	ssyncadd.s32 $0xFFFFF000  }
.LBB2_3:
0x7a: {  	v3 =	vld [tilespmem:$0x11300]  }
0x7b: {  	v6 =	vld [tilespmem:$0x11310]  }
0x7c: {  	s28 =	sshra.s32 s25, $0x2;
	v13 =	vld [tilespmem:$0x11340]  }
0x7d: {  	v1 =	vld [tilespmem:s28+$0x300]  }
0x7e: {  	v2 =	vld [tilespmem:s28+$0x8300]  }
0x7f: {  	v4 =	vld [tilespmem:s28+$0x1300]  }
0x80: {  	v5 =	vld [tilespmem:s28+$0x9300]  }
0x81: {  	v7 =	vld [tilespmem:s28+$0x2300]  }
0x82: {  	v11 =	vld [tilespmem:s28+$0x4300]  }
0x83: {  	v57 =	vld [tilespmem:s28+$0xC300]  }
0x84: {  	v8 =	vld [tilespmem:s28+$0xA300];
	v1 =	vadd.f32 v2, v1  }
0x85: {  	v10 =	vld [tilespmem:s28+$0x3300]  }
0x86: {  	v14 =	vld [tilespmem:s28+$0x5300];
	v12 =	vmul.f32 $2.000000030e-01, v1  }
0x87: {  	v59 =	vld [tilespmem:s28+$0x6300];
	vm3 =	vge.f32 v1, $0.0e+00  }
0x88: {  	v2 =	vld [tilespmem:s28+$0xB300];
	v4 =	vadd.f32 v5, v4;
	v5 =	vadd.f32 v57, v11;
	v1 =	vsel vm3, v1, v12  }
0x89: {  	v1 =	vmul.f32 v1, v3;
	v3 =	vld [tilespmem:s28+$0xD300]  }
0x8a: {  	v60 =	vld [tilespmem:s28+$0xE300];
	v7 =	vadd.f32 v8, v7;
	v16 =	vmul.f32 $2.000000030e-01, v5  }
0x8b: {  	v9 =	vld [tilespmem:$0x11320];
	v58 =	vmul.f32 $2.000000030e-01, v4;
	vm4 =	vge.f32 v5, $0.0e+00  }
0x8c: {  	v62 =	vld [tilespmem:s28+$0x7300];
	v61 =	vmul.f32 $2.000000030e-01, v7;
	vm3 =	vge.f32 v4, $0.0e+00;
	v5 =	vsel vm4, v5, v16  }
0x8d: {  	v63 =	vld [tilespmem:s28+$0xF300];
	v4 =	vsel vm3, v4, v58;
	vm3 =	vge.f32 v7, $0.0e+00;
	v2 =	vadd.f32 v2, v10  }
0x8e: {  	v17 =	vld [tilespmem:$0x11350];
	v5 =	vmul.f32 v5, v13;
	v4 =	vmul.f32 v4, v6;
	v3 =	vadd.f32 v3, v14  }
0x8f: {  	v7 =	vsel vm3, v7, v61;
	v6 =	vadd.f32 v60, v59;
	v1 =	vadd.f32 $0.0e+00, v1  }
0x90: {  	v19 =	vld [tilespmem:$0x11360];
	v7 =	vmul.f32 v7, v9;
	vm3 =	vge.f32 v2, $0.0e+00;
	v18 =	vmul.f32 $2.000000030e-01, v3  }
0x91: {  	v21 =	vld [tilespmem:$0x11330];
	v20 =	vmul.f32 $2.000000030e-01, v2;
	v22 =	vmul.f32 $2.000000030e-01, v6;
	vm15 =	vge.f32 v3, $0.0e+00  }
0x92: {  	v23 =	vld [tilespmem:$0x11370];
	v1 =	vadd.f32 v4, v1;
	v4 =	vadd.f32 v63, v62;
	v3 =	vsel vm15, v3, v18  }
0x93: {  	v5 =	vadd.f32 $0.0e+00, v5;
	vm8 =	vge.f32 v6, $0.0e+00;
	v3 =	vmul.f32 v3, v17  }
0x94: {  	v2 =	vsel vm3, v2, v20;
	v6 =	vsel vm8, v6, v22;
	v24 =	vmul.f32 $2.000000030e-01, v4  }
0x95: {  	v25 =	vmul.f32 v6, v19;
	vm3 =	vge.f32 v4, $0.0e+00;
	v3 =	vadd.f32 v3, v5  }
0x96: {  	v2 =	vmul.f32 v2, v21;
	v1 =	vadd.f32 v7, v1;
	v4 =	vsel vm3, v4, v24  }
0x97: {  	v4 =	vmul.f32 v4, v23;
	v3 =	vadd.f32 v25, v3  }
0x98: {  	v1 =	vadd.f32 v2, v1  }
0x99: {  	v2 =	vadd.f32 v4, v3  }
0x9a: {  	(xrf2) =	vadd.scan.msk.f32 $0xffff, v1  }
0x9b: {  	(xrf2) =	vadd.scan.msk.f32 $0xffff, v2;
	_ =	sdelay $0x8  }
0x9c: {  	v1, _, _ =	vpop (xrf2)  }
0x9d: {  	v2, _, _ =	vpop (xrf2)  }
0x9e: {  	v2 =	vbroadcast v2, $0xF  }
0x9f: {  	v1 =	vbroadcast v1, $0xF  }
0xa0: {  	v2 =	vnsel vm0, $0x0, v2  }
0xa1: {  	v1 =	vsel vm1, v2, v1  }
0xa2: {  	v1 =	vmul.f32 $1.442695020e+00, v1;
	_ =	sdelay $0x1  }
0xa3: {  	(erf) = vpow2.f32 v1;
	_ =	sdelay $0x5  }
0xa4: {  	v26 =	vld [tilespmem:s28+$0x1310]  }
0xa5: {  	v27 =	vld [tilespmem:s28+$0x9310]  }
0xa6: {  	v29 =	vld [tilespmem:s28+$0x2310]  }
0xa7: {  	v30 =	vld [tilespmem:s28+$0xA310];
	v1 =	vpop (erf)  }
0xa8: {  	v2 =	vld [tilespmem:s28+$0x310];
	v1 =	vsel vm2, v1, v0  }
0xa9: {  	[tilespmem:s28+$0x10300] =	vst v1;
	v1 =	vld [tilespmem:s28+$0x8310]  }
0xaa: {  	v32 =	vld [tilespmem:s28+$0x3310]  }
0xab: {  	v33 =	vld [tilespmem:s28+$0x4310]  }
0xac: {  	v35 =	vld [tilespmem:s28+$0xC310]  }
0xad: {  	v39 =	vld [tilespmem:s28+$0x6310]  }
0xae: {  	v3 =	vld [tilespmem:$0x11300];
	v1 =	vadd.f32 v1, v2  }
0xaf: {  	v40 =	vld [tilespmem:s28+$0xE310]  }
0xb0: {  	v38 =	vld [tilespmem:s28+$0x5310];
	v34 =	vmul.f32 $2.000000030e-01, v1  }
0xb1: {  	v42 =	vld [tilespmem:s28+$0x7310];
	vm3 =	vge.f32 v1, $0.0e+00  }
0xb2: {  	v5 =	vadd.f32 v35, v33;
	v36 =	vld [tilespmem:$0x11340];
	v1 =	vsel vm3, v1, v34  }
0xb3: {  	v1 =	vmul.f32 v1, v3;
	v3 =	vld [tilespmem:s28+$0xD310]  }
0xb4: {  	v7 =	vadd.f32 v30, v29;
	v6 =	vadd.f32 v40, v39;
	v44 =	vmul.f32 $2.000000030e-01, v5;
	v47 =	vld [tilespmem:$0x11360]  }
0xb5: {  	vm9 =	vge.f32 v5, $0.0e+00;
	v4 =	vadd.f32 v27, v26;
	v28 =	vld [tilespmem:$0x11310]  }
0xb6: {  	v41 =	vmul.f32 $2.000000030e-01, v7;
	v50 =	vmul.f32 $2.000000030e-01, v6;
	v5 =	vsel vm9, v5, v44;
	v2 =	vld [tilespmem:s28+$0xB310]  }
0xb7: {  	v43 =	vld [tilespmem:s28+$0xF310];
	vm11 =	vge.f32 v6, $0.0e+00;
	v37 =	vmul.f32 $2.000000030e-01, v4;
	v5 =	vmul.f32 v5, v36  }
0xb8: {  	v6 =	vsel vm11, v6, v50;
	v45 =	vld [tilespmem:$0x11350];
	vm3 =	vge.f32 v4, $0.0e+00;
	v3 =	vadd.f32 v3, v38  }
0xb9: {  	v31 =	vld [tilespmem:$0x11320];
	v53 =	vmul.f32 v6, v47;
	v5 =	vadd.f32 $0.0e+00, v5;
	v4 =	vsel vm3, v4, v37  }
0xba: {  	v4 =	vmul.f32 v4, v28;
	v1 =	vadd.f32 $0.0e+00, v1;
	v46 =	vmul.f32 $2.000000030e-01, v3  }
0xbb: {  	v49 =	vld [tilespmem:$0x11330];
	vm3 =	vge.f32 v7, $0.0e+00;
	v2 =	vadd.f32 v2, v32;
	vm10 =	vge.f32 v3, $0.0e+00  }
0xbc: {  	v51 =	vld [tilespmem:$0x11370];
	v1 =	vadd.f32 v4, v1;
	v4 =	vadd.f32 v43, v42;
	v3 =	vsel vm10, v3, v46  }
0xbd: {  	v7 =	vsel vm3, v7, v41;
	v48 =	vmul.f32 $2.000000030e-01, v2;
	v3 =	vmul.f32 v3, v45  }
0xbe: {  	v7 =	vmul.f32 v7, v31;
	vm3 =	vge.f32 v2, $0.0e+00;
	v52 =	vmul.f32 $2.000000030e-01, v4  }
0xbf: {  	v2 =	vsel vm3, v2, v48;
	vm3 =	vge.f32 v4, $0.0e+00;
	v3 =	vadd.f32 v3, v5  }
0xc0: {  	v2 =	vmul.f32 v2, v49;
	v1 =	vadd.f32 v7, v1;
	v4 =	vsel vm3, v4, v52  }
0xc1: {  	v4 =	vmul.f32 v4, v51;
	v3 =	vadd.f32 v53, v3  }
0xc2: {  	v1 =	vadd.f32 v2, v1  }
0xc3: {  	v2 =	vadd.f32 v4, v3  }
0xc4: {  	(xrf2) =	vadd.scan.msk.f32 $0xffff, v1  }
0xc5: {  	(xrf2) =	vadd.scan.msk.f32 $0xffff, v2;
	_ =	sdelay $0x8  }
0xc6: {  	v1, _, _ =	vpop (xrf2)  }
0xc7: {  	v2, _, _ =	vpop (xrf2)  }
0xc8: {  	v2 =	vbroadcast v2, $0xF  }
0xc9: {  	v1 =	vbroadcast v1, $0xF  }
0xca: {  	v2 =	vnsel vm0, $0x0, v2  }
0xcb: {  	v1 =	vsel vm1, v2, v1  }
0xcc: {  	v1 =	vmul.f32 $1.442695020e+00, v1;
	_ =	sdelay $0x1  }
0xcd: {  	(erf) = vpow2.f32 v1;
	_ =	sdelay $0x5  }
0xce: {  	v54 =	vld [tilespmem:s28+$0x1320]  }
0xcf: {  	v55 =	vld [tilespmem:s28+$0x9320]  }
0xd0: {  	v57 =	vld [tilespmem:s28+$0x2320]  }
0xd1: {  	v58 =	vld [tilespmem:s28+$0xA320];
	v1 =	vpop (erf)  }
0xd2: {  	v2 =	vld [tilespmem:s28+$0x320];
	v1 =	vsel vm2, v1, v0  }
0xd3: {  	[tilespmem:s28+$0x10310] =	vst v1;
	v1 =	vld [tilespmem:s28+$0x8320]  }
0xd4: {  	v61 =	vld [tilespmem:s28+$0x4320]  }
0xd5: {  	v63 =	vld [tilespmem:s28+$0xC320]  }
0xd6: {  	v20 =	vld [tilespmem:s28+$0xE320]  }
0xd7: {  	v19 =	vld [tilespmem:s28+$0x6320]  }
0xd8: {  	v3 =	vld [tilespmem:$0x11300];
	v1 =	vadd.f32 v1, v2  }
0xd9: {  	v60 =	vld [tilespmem:s28+$0x3320]  }
0xda: {  	v22 =	vld [tilespmem:s28+$0x7320];
	v62 =	vmul.f32 $2.000000030e-01, v1  }
0xdb: {  	v18 =	vld [tilespmem:s28+$0x5320];
	vm3 =	vge.f32 v1, $0.0e+00  }
0xdc: {  	v5 =	vadd.f32 v63, v61;
	v16 =	vld [tilespmem:$0x11340];
	v1 =	vsel vm3, v1, v62  }
0xdd: {  	v6 =	vadd.f32 v20, v19;
	v1 =	vmul.f32 v1, v3;
	v3 =	vld [tilespmem:s28+$0xD320]  }
0xde: {  	v24 =	vmul.f32 $2.000000030e-01, v5;
	v27 =	vld [tilespmem:$0x11360]  }
0xdf: {  	v30 =	vmul.f32 $2.000000030e-01, v6;
	vm12 =	vge.f32 v5, $0.0e+00;
	v4 =	vadd.f32 v55, v54;
	v56 =	vld [tilespmem:$0x11310]  }
0xe0: {  	vm14 =	vge.f32 v6, $0.0e+00;
	v7 =	vadd.f32 v58, v57;
	v5 =	vsel vm12, v5, v24;
	v2 =	vld [tilespmem:s28+$0xB320]  }
0xe1: {  	v23 =	vld [tilespmem:s28+$0xF320];
	v6 =	vsel vm14, v6, v30;
	v17 =	vmul.f32 $2.000000030e-01, v4;
	v5 =	vmul.f32 v5, v16  }
0xe2: {  	v21 =	vmul.f32 $2.000000030e-01, v7;
	v25 =	vld [tilespmem:$0x11350];
	vm3 =	vge.f32 v4, $0.0e+00;
	v3 =	vadd.f32 v3, v18  }
0xe3: {  	v59 =	vld [tilespmem:$0x11320];
	v33 =	vmul.f32 v6, v27;
	v5 =	vadd.f32 $0.0e+00, v5;
	v4 =	vsel vm3, v4, v17  }
0xe4: {  	v4 =	vmul.f32 v4, v56;
	v1 =	vadd.f32 $0.0e+00, v1;
	v26 =	vmul.f32 $2.000000030e-01, v3  }
0xe5: {  	v29 =	vld [tilespmem:$0x11330];
	vm3 =	vge.f32 v7, $0.0e+00;
	v2 =	vadd.f32 v2, v60;
	vm13 =	vge.f32 v3, $0.0e+00  }
0xe6: {  	v31 =	vld [tilespmem:$0x11370];
	v1 =	vadd.f32 v4, v1;
	v4 =	vadd.f32 v23, v22;
	v3 =	vsel vm13, v3, v26  }
0xe7: {  	v7 =	vsel vm3, v7, v21;
	v28 =	vmul.f32 $2.000000030e-01, v2;
	v3 =	vmul.f32 v3, v25  }
0xe8: {  	v7 =	vmul.f32 v7, v59;
	vm3 =	vge.f32 v2, $0.0e+00;
	v32 =	vmul.f32 $2.000000030e-01, v4  }
0xe9: {  	v2 =	vsel vm3, v2, v28;
	vm3 =	vge.f32 v4, $0.0e+00;
	v3 =	vadd.f32 v3, v5  }
0xea: {  	v2 =	vmul.f32 v2, v29;
	v1 =	vadd.f32 v7, v1;
	v4 =	vsel vm3, v4, v32  }
0xeb: {  	v4 =	vmul.f32 v4, v31;
	v3 =	vadd.f32 v33, v3  }
0xec: {  	v1 =	vadd.f32 v2, v1  }
0xed: {  	v2 =	vadd.f32 v4, v3  }
0xee: {  	(xrf2) =	vadd.scan.msk.f32 $0xffff, v1  }
0xef: {  	(xrf2) =	vadd.scan.msk.f32 $0xffff, v2;
	_ =	sdelay $0x8  }
0xf0: {  	v1, _, _ =	vpop (xrf2)  }
0xf1: {  	v2, _, _ =	vpop (xrf2)  }
0xf2: {  	v2 =	vbroadcast v2, $0xF  }
0xf3: {  	v1 =	vbroadcast v1, $0xF  }
0xf4: {  	v2 =	vnsel vm0, $0x0, v2  }
0xf5: {  	v1 =	vsel vm1, v2, v1  }
0xf6: {  	v1 =	vmul.f32 $1.442695020e+00, v1;
	_ =	sdelay $0x1  }
0xf7: {  	(erf) = vpow2.f32 v1;
	_ =	sdelay $0x1  }
0xf8: {  	v40 =	vld [tilespmem:s28+$0x4330]  }
0xf9: {  	v35 =	vld [tilespmem:s28+$0x9330]  }
0xfa: {  	v44 =	vld [tilespmem:s28+$0xD330]  }
0xfb: {  	v47 =	vld [tilespmem:s28+$0xE330]  }
0xfc: {  	v34 =	vld [tilespmem:s28+$0x1330]  }
0xfd: {  	v37 =	vld [tilespmem:s28+$0x2330]  }
0xfe: {  	v42 =	vld [tilespmem:s28+$0xC330]  }
0xff: {  	v43 =	vld [tilespmem:s28+$0x5330];
	v1 =	vpop (erf)  }
0x100: {  	v2 =	vld [tilespmem:s28+$0x330];
	v1 =	vsel vm2, v1, v0  }
0x101: {  	[tilespmem:s28+$0x10320] =	vst v1;
	v1 =	vld [tilespmem:s28+$0x8330]  }
0x102: {  	v46 =	vld [tilespmem:s28+$0x6330]  }
0x103: {  	v38 =	vld [tilespmem:s28+$0xA330]  }
0x104: {  	v49 =	vld [tilespmem:s28+$0x7330]  }
0x105: {  	v51 =	vld [tilespmem:s28+$0xF330]  }
0x106: {  	v10 =	vadd.f32 v42, v40;
	v3 =	vld [tilespmem:$0x11300];
	v1 =	vadd.f32 v1, v2  }
0x107: {  	v8 =	vadd.f32 v47, v46  }
0x108: {  	v39 =	vld [tilespmem:s28+$0x3330];
	v50 =	vmul.f32 $2.000000030e-01, v10;
	v5 =	vadd.f32 v44, v43;
	v41 =	vmul.f32 $2.000000030e-01, v1  }
0x109: {  	v58 =	vmul.f32 $2.000000030e-01, v8;
	v4 =	vadd.f32 v35, v34;
	v2 =	vld [tilespmem:s28+$0xB330];
	vm3 =	vge.f32 v1, $0.0e+00  }
0x10a: {  	v7 =	vadd.f32 v38, v37;
	v55 =	vmul.f32 $2.000000030e-01, v5;
	v53 =	vld [tilespmem:$0x11350];
	v1 =	vsel vm3, v1, v41  }
0x10b: {  	v59 =	vadd.f32 v51, v49;
	v45 =	vmul.f32 $2.000000030e-01, v4;
	v1 =	vmul.f32 v1, v3;
	v3 =	vld [tilespmem:$0x11340]  }
0x10c: {  	v48 =	vmul.f32 $2.000000030e-01, v7;
	vm15 =	vge.f32 v5, $0.0e+00;
	v36 =	vld [tilespmem:$0x11310];
	vm3 =	vge.f32 v4, $0.0e+00  }
0x10d: {  	v5 =	vsel vm15, v5, v55;
	v4 =	vsel vm3, v4, v45;
	vm3 =	vge.f32 v7, $0.0e+00  }
0x10e: {  	v54 =	vld [tilespmem:$0x11320];
	v2 =	vadd.f32 v2, v39;
	v52 =	vsel vm3, v7, v48;
	vm3 =	vge.f32 v10, $0.0e+00  }
0x10f: {  	v61 =	vmul.f32 $2.000000030e-01, v59;
	v56 =	vld [tilespmem:$0x11360];
	v5 =	vmul.f32 v5, v53;
	v9 =	vsel vm3, v10, v50  }
0x110: {  	v57 =	vld [tilespmem:$0x11330];
	v15 =	vmul.f32 $2.000000030e-01, v2;
	v3 =	vmul.f32 v9, v3  }
0x111: {  	v60 =	vld [tilespmem:$0x11370];
	v4 =	vmul.f32 v4, v36;
	v1 =	vadd.f32 $0.0e+00, v1;
	vm3 =	vge.f32 v2, $0.0e+00  }
0x112: {  	v2 =	vsel vm3, v2, v15;
	vm3 =	vge.f32 v8, $0.0e+00;
	v3 =	vadd.f32 $0.0e+00, v3  }
0x113: {  	v6 =	vmul.f32 v52, v54;
	v1 =	vadd.f32 v4, v1;
	v4 =	vsel vm3, v8, v58  }
0x114: {  	vm3 =	vge.f32 v59, $0.0e+00;
	v4 =	vmul.f32 v4, v56;
	v3 =	vadd.f32 v5, v3  }
0x115: {  	v2 =	vmul.f32 v2, v57;
	v1 =	vadd.f32 v6, v1;
	v62 =	vsel vm3, v59, v61  }
0x116: {  	v63 =	vmul.f32 v62, v60;
	v3 =	vadd.f32 v4, v3  }
0x117: {  	v1 =	vadd.f32 v2, v1  }
0x118: {  	v2 =	vadd.f32 v63, v3  }
0x119: {  	(xrf2) =	vadd.scan.msk.f32 $0xffff, v1  }
0x11a: {  	(xrf2) =	vadd.scan.msk.f32 $0xffff, v2;
	_ =	sdelay $0x8  }
0x11b: {  	v1, _, _ =	vpop (xrf2)  }
0x11c: {  	v2, _, _ =	vpop (xrf2)  }
0x11d: {  	v2 =	vbroadcast v2, $0xF  }
0x11e: {  	v1 =	vbroadcast v1, $0xF  }
0x11f: {  	v2 =	vnsel vm0, $0x0, v2  }
0x120: {  	v1 =	vsel vm1, v2, v1  }
0x121: {  	v1 =	vmul.f32 $1.442695020e+00, v1;
	_ =	sdelay $0x1  }
0x122: {  	(erf) = vpow2.f32 v1;
	_ =	sdelay $0x5  }
0x123: {  	p1 =	sne.s32 s25, $0x3F00  }
.Ltmp0:
0x124: {  	_ = 	snop;
	(pc) =	sbr.rel @p1 .LBB2_3-.Ltmp0, $4  }
0x125: {  	_ = 	snop  }
0x126: {  	v1 =	vpop (erf)  }
0x127: {  	v1 =	vsel vm2, v1, v0  }
0x128: {  	s25 =	sadd.s32 $0x100, s25;
	[tilespmem:s28+$0x10330] =	vst v1  }
0x129: {  	s30 =	sadd.s32 $0x1, s30  }
0x12a: {  	s0 =	sshll.u32 s17, $0x1;
	s7 =	rddreg [dreg:$0x4];
	p1 =	sne.s32 s30, $0x28  }
.Ltmp1:
0x12b: {  	s0 =	sadd.s32 s7, s0;
	(pc) =	sbr.rel @p1 .LBB2_2-.Ltmp1, $4  }
0x12c: {  	[hbm4b:s0+s6] =	stream.linear.scatter [tilespmem:s4], [sflag:$0x2], $0x1000, $0x38;
	[tilespmem:$0x13AA0] =	vst v63  }
0x12d: {  	_ =	swait.ge [sflag:s31], $0x1000  }
0x12e: {  	[sflag:s31] =	ssyncset.done $0x0  }
0x12f: {  	[sflag:s31] =	ssyncadd.s32 $0xFFFFF000  }
0x130: {  	[bflag:$0x0] =	sbarrier.arrive $0xFFFF  }
0x131: {  	s8 =	sshrl.u32 @!p0 s5, $0x3;
	s7 =	rddreg [dreg:$0xc]  }
0x132: {  	s0 =	simm.s32 @!p0 $0x1C02;
	[dreg:$0xf] =	wrdreg s8  }
0x133: {  	[spmem:s8], [sflag:s0] =	dma.local @!p0 [hbm:s7], $0x4E40  }
0x134: {  	s0 =	simm.s32 @!p0 $0x2  }
0x135: {  	_ =	swait.ge @!p0 [sflag:s0], $0x4E40  }
0x136: {  	[sflag:s0] =	ssyncset.done @!p0 $0x0  }
0x137: {  	[sflag:s0] =	ssyncadd.s32 @!p0 $0xFFFFB1C0  }
0x138: {  	s18 =	sadd.s32 $0x0, s29;
	[bflag:$0x0] =	sbarrier.arrive $0xFFFF  }
0x139: {  	[tilespmem:s2], [sflag:$0x2] =	stream.linear.gather [hbm4b:s18+s6], $0x100, $0x38;
	[tilespmem:$0x13AA0] =	vst v63  }
0x13a: {  	_ =	swait.ge [sflag:s31], $0x100  }
0x13b: {  	[sflag:s31] =	ssyncset.done $0x0  }
0x13c: {  	s25 =	rddreg [dreg:$0xb];
	[sflag:s31] =	ssyncadd.s32 $0xFFFFFF00  }
0x13d: {  	[tilespmem:s4], [sflag:$0x2] =	stream.linear.gather [hbm4b:s25+s6], $0x1000, $0x38;
	[tilespmem:$0x13AA0] =	vst v63  }
0x13e: {  	_ =	swait.ge [sflag:s31], $0x1000  }
0x13f: {  	[sflag:s31] =	ssyncset.done $0x0  }
0x140: {  	[sflag:s31] =	ssyncadd.s32 $0xFFFFF000  }
0x141: {  	v1 =	vld [tilespmem:$0x110]  }
0x142: {  	s30 =	sadd.s32 $0x200, s25;
	v4 =	vld [tilespmem:$0x120]  }
0x143: {  	s17 =	simm.s32 $0x20;
	s25 =	sadd.s32 $0x200, s30;
	v3 =	vld [tilespmem:$0x1A0]  }
0x144: {  	s28 =	simm.s32 $0x40;
	s0 =	simm.s32 $0x60;
	s18 =	smov.u32 s25;
	v2 =	vld [tilespmem:$0x1E0]  }
.LBB2_6:
0x145: {  	p1 =	sne.s32 s0, $0x4E0  }
0x146: {  	s25 =	sadd.s32 $0x200, s25;
	v5 =	vld [tilespmem:$0x160];
	s7 =	smov.u32 s0;
	s0 =	sadd.s32 $0x20, s0  }
0x147: {  	v6 =	vld [tilespmem:$0x140]  }
0x148: {  	v1 =	vmin.u32 v1, $0x2710;
	v4 =	vmin.u32 v4, $0x2710;
	v7 =	vld [tilespmem:$0x170]  }
0x149: {  	[tilespmem:$0x220] =	vst v4;
	v4 =	vld [tilespmem:$0x150];
	v3 =	vmin.u32 v3, $0x2710  }
0x14a: {  	v8 =	vld [tilespmem:$0x180];
	[tilespmem:$0x2A0] =	vst v3;
	v2 =	vmin.u32 v2, $0x2710  }
0x14b: {  	[tilespmem:$0x210] =	vst v1;
	v1 =	vmin.u32 v5, $0x2710;
	v3 =	vld [tilespmem:$0x190]  }
0x14c: {  	v5 =	vmin.u32 v6, $0x2710;
	v6 =	vld [tilespmem:$0x1B0];
	[tilespmem:$0x2E0] =	vst v2  }
0x14d: {  	[tilespmem:$0x240] =	vst v5;
	v2 =	vmin.u32 v7, $0x2710;
	v5 =	vld [tilespmem:$0x1C0]  }
0x14e: {  	v7 =	vld [tilespmem:$0x100];
	v4 =	vmin.u32 v4, $0x2710;
	[tilespmem:$0x270] =	vst v2  }
0x14f: {  	[tilespmem:$0x250] =	vst v4;
	v2 =	vmin.u32 v8, $0x2710;
	v4 =	vld [tilespmem:$0x1D0]  }
0x150: {  	[tilespmem:$0x280] =	vst v2;
	v2 =	vmin.u32 v3, $0x2710;
	v3 =	vld [tilespmem:$0x1F0]  }
0x151: {  	v8 =	vld [tilespmem:$0x130];
	[tilespmem:$0x290] =	vst v2;
	v2 =	vmin.u32 v6, $0x2710  }
0x152: {  	[tilespmem:$0x2B0] =	vst v2;
	v2 =	vmin.u32 v5, $0x2710  }
0x153: {  	v5 =	vmin.u32 v7, $0x2710;
	[tilespmem:$0x2C0] =	vst v2  }
0x154: {  	[tilespmem:$0x260] =	vst v1;
	v1 =	vmin.u32 v4, $0x2710  }
0x155: {  	[tilespmem:$0x2D0] =	vst v1;
	v1 =	vmin.u32 v3, $0x2710  }
0x156: {  	[tilespmem:$0x200] =	vst v5;
	v2 =	vmin.u32 v8, $0x2710  }
0x157: {  	[tilespmem:$0x230] =	vst v2  }
0x158: {  	[tilespmem:$0x2F0] =	vst v1  }
0x159: {  	[spmem:s5] =	stream.indirect.scatter.add.f32 [tilespmem:s4], [sflag:$0x2], $0x10, s3, s2, $0xb8;
	[tilespmem:$0x13AA0] =	vst v63  }
0x15a: {  	_ =	swait.ge [sflag:s31], $0x1000  }
0x15b: {  	[sflag:s31] =	ssyncset.done $0x0  }
0x15c: {  	s8 =	sadd.s32 s17, s29;
	s17 =	smov.u32 s28;
	[sflag:s31] =	ssyncadd.s32 $0xFFFFF000  }
0x15d: {  	[tilespmem:s2], [sflag:$0x2] =	stream.linear.gather [hbm4b:s8+s6], $0x100, $0x38;
	[tilespmem:$0x13AA0] =	vst v63  }
0x15e: {  	s28 =	smov.u32 s7;
	_ =	swait.ge [sflag:s31], $0x100  }
0x15f: {  	[sflag:s31] =	ssyncset.done $0x0  }
0x160: {  	[sflag:s31] =	ssyncadd.s32 $0xFFFFFF00  }
0x161: {  	[tilespmem:s4], [sflag:$0x2] =	stream.linear.gather [hbm4b:s30+s6], $0x1000, $0x38;
	[tilespmem:$0x13AA0] =	vst v63  }
0x162: {  	s30 =	smov.u32 s18;
	s18 =	smov.u32 s25;
	_ =	swait.ge [sflag:s31], $0x1000  }
0x163: {  	[sflag:s31] =	ssyncset.done $0x0  }
.Ltmp2:
0x164: {  	[sflag:s31] =	ssyncadd.s32 $0xFFFFF000;
	(pc) =	sbr.rel @p1 .LBB2_6-.Ltmp2, $4  }
0x165: {  	v1 =	vld [tilespmem:$0x110]  }
0x166: {  	v4 =	vld [tilespmem:$0x120]  }
0x167: {  	v3 =	vld [tilespmem:$0x1A0]  }
0x168: {  	v2 =	vld [tilespmem:$0x1E0]  }
0x169: {  	v5 =	vld [tilespmem:$0x140]  }
0x16a: {  	v6 =	vld [tilespmem:$0x170];
	v1 =	vmin.u32 v1, $0x2710  }
0x16b: {  	v36 =	vld [tilespmem:$0x150];
	v4 =	vmin.u32 v4, $0x2710;
	[tilespmem:$0x210] =	vst v1  }
0x16c: {  	v7 =	vld [tilespmem:$0x180];
	[tilespmem:$0x220] =	vst v4;
	v3 =	vmin.u32 v3, $0x2710  }
0x16d: {  	v1 =	vld [tilespmem:$0x190];
	[tilespmem:$0x2A0] =	vst v3;
	v2 =	vmin.u32 v2, $0x2710  }
0x16e: {  	v37 =	vld [tilespmem:$0x1B0];
	v3 =	vmin.u32 v5, $0x2710;
	[tilespmem:$0x2E0] =	vst v2  }
0x16f: {  	v2 =	vmin.u32 v6, $0x2710;
	[tilespmem:$0x240] =	vst v3;
	v3 =	vld [tilespmem:$0x1C0]  }
0x170: {  	v38 =	vld [tilespmem:$0x160];
	v4 =	vmin.u32 v36, $0x2710;
	[tilespmem:$0x270] =	vst v2  }
0x171: {  	v39 =	vld [tilespmem:$0x1D0];
	[tilespmem:$0x250] =	vst v4;
	v2 =	vmin.u32 v7, $0x2710  }
0x172: {  	v40 =	vld [tilespmem:$0x100];
	[tilespmem:$0x280] =	vst v2;
	v1 =	vmin.u32 v1, $0x2710  }
0x173: {  	v2 =	vld [tilespmem:$0x130];
	[tilespmem:$0x290] =	vst v1;
	v1 =	vmin.u32 v37, $0x2710  }
0x174: {  	v41 =	vld [tilespmem:$0x1F0];
	[tilespmem:$0x2B0] =	vst v1;
	v1 =	vmin.u32 v3, $0x2710  }
0x175: {  	v3 =	vmin.u32 v38, $0x2710;
	[tilespmem:$0x2C0] =	vst v1  }
0x176: {  	[tilespmem:$0x260] =	vst v3;
	v1 =	vmin.u32 v39, $0x2710  }
0x177: {  	v3 =	vmin.u32 v40, $0x2710;
	[tilespmem:$0x2D0] =	vst v1  }
0x178: {  	[tilespmem:$0x200] =	vst v3;
	v1 =	vmin.u32 v2, $0x2710  }
0x179: {  	v2 =	vmin.u32 v41, $0x2710;
	[tilespmem:$0x230] =	vst v1  }
0x17a: {  	[tilespmem:$0x2F0] =	vst v2  }
0x17b: {  	[spmem:s5] =	stream.indirect.scatter.add.f32 [tilespmem:s4], [sflag:$0x2], $0x10, s3, s2, $0xb8;
	[tilespmem:$0x13AA0] =	vst v63  }
0x17c: {  	_ =	swait.ge [sflag:s31], $0x1000  }
0x17d: {  	[sflag:s31] =	ssyncset.done $0x0  }
0x17e: {  	s0 =	sadd.s32 s17, s29;
	[sflag:s31] =	ssyncadd.s32 $0xFFFFF000  }
0x17f: {  	[tilespmem:s2], [sflag:$0x2] =	stream.linear.gather [hbm4b:s0+s6], $0x100, $0x38;
	[tilespmem:$0x13AA0] =	vst v63  }
0x180: {  	_ =	swait.ge [sflag:s31], $0x100  }
0x181: {  	[sflag:s31] =	ssyncset.done $0x0  }
0x182: {  	[sflag:s31] =	ssyncadd.s32 $0xFFFFFF00  }
0x183: {  	[tilespmem:s4], [sflag:$0x2] =	stream.linear.gather [hbm4b:s30+s6], $0x1000, $0x38;
	[tilespmem:$0x13AA0] =	vst v63  }
0x184: {  	_ =	swait.ge [sflag:s31], $0x1000  }
0x185: {  	[sflag:s31] =	ssyncset.done $0x0  }
0x186: {  	[sflag:s31] =	ssyncadd.s32 $0xFFFFF000  }
0x187: {  	v1 =	vld [tilespmem:$0x120]  }
0x188: {  	v2 =	vld [tilespmem:$0x1A0]  }
0x189: {  	v3 =	vld [tilespmem:$0x110]  }
0x18a: {  	v43 =	vld [tilespmem:$0x140]  }
0x18b: {  	v49 =	vld [tilespmem:$0x160]  }
0x18c: {  	v42 =	vld [tilespmem:$0x1E0];
	v1 =	vmin.u32 v1, $0x2710  }
0x18d: {  	v44 =	vld [tilespmem:$0x170];
	v2 =	vmin.u32 v2, $0x2710;
	[tilespmem:$0x220] =	vst v1  }
0x18e: {  	v3 =	vmin.u32 v3, $0x2710;
	v1 =	vld [tilespmem:$0x150];
	[tilespmem:$0x2A0] =	vst v2  }
0x18f: {  	v45 =	vld [tilespmem:$0x180];
	v46 =	vmin.u32 v43, $0x2710;
	[tilespmem:$0x210] =	vst v3  }
0x190: {  	v52 =	vmin.u32 v49, $0x2710;
	v3 =	vld [tilespmem:$0x190];
	[tilespmem:$0x240] =	vst v46  }
0x191: {  	v47 =	vld [tilespmem:$0x1B0];
	v2 =	vmin.u32 v42, $0x2710;
	[tilespmem:$0x260] =	vst v52  }
0x192: {  	v48 =	vld [tilespmem:$0x1C0];
	[tilespmem:$0x2E0] =	vst v2;
	v2 =	vmin.u32 v44, $0x2710  }
0x193: {  	[tilespmem:$0x270] =	vst v2;
	v2 =	vld [tilespmem:$0x1D0];
	v1 =	vmin.u32 v1, $0x2710  }
0x194: {  	v50 =	vld [tilespmem:$0x100];
	[tilespmem:$0x250] =	vst v1;
	v1 =	vmin.u32 v45, $0x2710  }
0x195: {  	v51 =	vld [tilespmem:$0x1F0];
	[tilespmem:$0x280] =	vst v1;
	v1 =	vmin.u32 v3, $0x2710  }
0x196: {  	v3 =	vld [tilespmem:$0x130];
	[tilespmem:$0x290] =	vst v1;
	v1 =	vmin.u32 v47, $0x2710  }
0x197: {  	[tilespmem:$0x2B0] =	vst v1;
	v1 =	vmin.u32 v48, $0x2710  }
0x198: {  	[tilespmem:$0x2C0] =	vst v1;
	v1 =	vmin.u32 v2, $0x2710  }
0x199: {  	v2 =	vmin.u32 v50, $0x2710;
	[tilespmem:$0x2D0] =	vst v1  }
0x19a: {  	[tilespmem:$0x200] =	vst v2;
	v2 =	vmin.u32 v51, $0x2710  }
0x19b: {  	v1 =	vmin.u32 v3, $0x2710;
	[tilespmem:$0x2F0] =	vst v2  }
0x19c: {  	[tilespmem:$0x230] =	vst v1  }
0x19d: {  	[spmem:s5] =	stream.indirect.scatter.add.f32 [tilespmem:s4], [sflag:$0x2], $0x10, s3, s2, $0xb8;
	[tilespmem:$0x13AA0] =	vst v63  }
0x19e: {  	_ =	swait.ge [sflag:s31], $0x1000  }
0x19f: {  	[sflag:s31] =	ssyncset.done $0x0  }
0x1a0: {  	s25 =	sadd.s32 s28, s29;
	[sflag:s31] =	ssyncadd.s32 $0xFFFFF000  }
0x1a1: {  	[tilespmem:s2], [sflag:$0x2] =	stream.linear.gather [hbm4b:s25+s6], $0x100, $0x38;
	[tilespmem:$0x13AA0] =	vst v63  }
0x1a2: {  	_ =	swait.ge [sflag:s31], $0x100  }
0x1a3: {  	[sflag:s31] =	ssyncset.done $0x0  }
0x1a4: {  	[sflag:s31] =	ssyncadd.s32 $0xFFFFFF00  }
0x1a5: {  	[tilespmem:s4], [sflag:$0x2] =	stream.linear.gather [hbm4b:s18+s6], $0x1000, $0x38;
	[tilespmem:$0x13AA0] =	vst v63  }
0x1a6: {  	_ =	swait.ge [sflag:s31], $0x1000  }
0x1a7: {  	[sflag:s31] =	ssyncset.done $0x0  }
0x1a8: {  	[sflag:s31] =	ssyncadd.s32 $0xFFFFF000  }
0x1a9: {  	v1 =	vld [tilespmem:$0x120]  }
0x1aa: {  	v2 =	vld [tilespmem:$0x1A0]  }
0x1ab: {  	v3 =	vld [tilespmem:$0x110]  }
0x1ac: {  	v54 =	vld [tilespmem:$0x140]  }
0x1ad: {  	v60 =	vld [tilespmem:$0x160]  }
0x1ae: {  	v53 =	vld [tilespmem:$0x1E0];
	v1 =	vmin.u32 v1, $0x2710  }
0x1af: {  	v55 =	vld [tilespmem:$0x170];
	v2 =	vmin.u32 v2, $0x2710;
	[tilespmem:$0x220] =	vst v1  }
0x1b0: {  	v3 =	vmin.u32 v3, $0x2710;
	v1 =	vld [tilespmem:$0x150];
	[tilespmem:$0x2A0] =	vst v2  }
0x1b1: {  	v56 =	vld [tilespmem:$0x180];
	v57 =	vmin.u32 v54, $0x2710;
	[tilespmem:$0x210] =	vst v3  }
0x1b2: {  	v63 =	vmin.u32 v60, $0x2710;
	v3 =	vld [tilespmem:$0x190];
	[tilespmem:$0x240] =	vst v57  }
0x1b3: {  	v58 =	vld [tilespmem:$0x1B0];
	v2 =	vmin.u32 v53, $0x2710;
	[tilespmem:$0x260] =	vst v63  }
0x1b4: {  	v59 =	vld [tilespmem:$0x1C0];
	[tilespmem:$0x2E0] =	vst v2;
	v2 =	vmin.u32 v55, $0x2710  }
0x1b5: {  	[tilespmem:$0x270] =	vst v2;
	v2 =	vld [tilespmem:$0x1D0];
	v1 =	vmin.u32 v1, $0x2710  }
0x1b6: {  	v61 =	vld [tilespmem:$0x100];
	[tilespmem:$0x250] =	vst v1;
	v1 =	vmin.u32 v56, $0x2710  }
0x1b7: {  	v62 =	vld [tilespmem:$0x1F0];
	[tilespmem:$0x280] =	vst v1;
	v1 =	vmin.u32 v3, $0x2710  }
0x1b8: {  	v3 =	vld [tilespmem:$0x130];
	[tilespmem:$0x290] =	vst v1;
	v1 =	vmin.u32 v58, $0x2710  }
0x1b9: {  	[tilespmem:$0x2B0] =	vst v1;
	v1 =	vmin.u32 v59, $0x2710  }
0x1ba: {  	[tilespmem:$0x2C0] =	vst v1;
	v1 =	vmin.u32 v2, $0x2710  }
0x1bb: {  	v2 =	vmin.u32 v61, $0x2710;
	[tilespmem:$0x2D0] =	vst v1  }
0x1bc: {  	[tilespmem:$0x200] =	vst v2;
	v2 =	vmin.u32 v62, $0x2710  }
0x1bd: {  	v1 =	vmin.u32 v3, $0x2710;
	[tilespmem:$0x2F0] =	vst v2  }
0x1be: {  	[tilespmem:$0x230] =	vst v1  }
0x1bf: {  	[spmem:s5] =	stream.indirect.scatter.add.f32 [tilespmem:s4], [sflag:$0x2], $0x10, s3, s2, $0xb8;
	[tilespmem:$0x13AA0] =	vst v63  }
0x1c0: {  	_ =	swait.ge [sflag:s31], $0x1000  }
0x1c1: {  	[sflag:s31] =	ssyncset.done $0x0  }
0x1c2: {  	[sflag:s31] =	ssyncadd.s32 $0xFFFFF000  }
0x1c3: {  	[bflag:$0x0] =	sbarrier.arrive $0xFFFF  }
0x1c4: {  	s7 =	rddreg [dreg:$0xa]  }
0x1c5: {  	s0 =	simm.s32 @!p0 $0x1C02;
	s8 =	rddreg [dreg:$0xf]  }
0x1c6: {  	[hbm:s7], [sflag:s0] =	dma.local @!p0 [spmem:s8], $0x4E20  }
0x1c7: {  	s0 =	simm.s32 @!p0 $0x2  }
0x1c8: {  	_ =	swait.ge @!p0 [sflag:s0], $0x4E20  }
0x1c9: {  	s28 =	rddreg [dreg:$0xe]  }
0x1ca: {  	s30 =	rddreg [dreg:$0xd];
	s17 =	sadd.s32 $0x1, s28  }
0x1cb: {  	p1 =	sne.s32 s17, s30  }
.Ltmp3:
0x1cc: {  	_ = 	snop;
	(pc) =	sbr.rel @p1 .LBB2_1-.Ltmp3, $4  }
0x1cd: {  	[sflag:s0] =	ssyncset.done @!p0 $0x0  }
0x1ce: {  	[sflag:s0] =	ssyncadd.s32 @!p0 $0xFFFFB1E0  }
0x1cf: {  	s8 =	rddreg [dreg:$0x0]  }
0x1d0: {  	s18 =	rddreg [dreg:$0x1]  }
0x1d1: {  	_ =	sfence.sel $0x180000  }
0x1d2: {  	[bflag:$0x0] =	sbarrier.arrive $0xFFFF  }
0x1d3: {  	_ =	strace $0x90000047  }
0x1d4: {  	[bflag:$0x2] =	sbarrier.arrive $0xFFFF  }
0x1d5: {  	s0 =	rddreg [dreg:$0x7]  }
0x1d6: {  	s0 =	sadd.s32 @!p0 $0x100000, s0  }
0x1d7: {  	[sflag:s0] =	ssyncadd.tile.s32 @!p0 $0x1;
	_ =	shalt  }
.Lfunc_end2:
_tile_overlayer_lowered:
.L_overlay_start_2:
0x1d8: {  	(tag) =	ssettag $0x2  }
0x1d9: {  	s0 =	rddreg [dreg:$0x0];
	s2 =	stileid.u32  }
0x1da: {  	s1 =	rddreg [dreg:$0x1];
	p0 =	sne.s32 s2, $0x0  }
0x1db: {  	s3 =	rddreg [dreg:$0x2];
	[bflag:$0x3] =	sbarrier.arrive $0xFFFF;
	s2 =	simm.s32 @!p0 $0x1C02  }
0x1dc: {  	[timem:s3], [sflag:s2] =	dma.local @!p0 [hbm:s0], s1  }
0x1dd: {  	s0 =	simm.s32 @!p0 $0x2  }
0x1de: {  	_ =	swait.ge @!p0 [sflag:s0], s1  }
0x1df: {  	s1 =	ssub.s32 @!p0 $0x0, s1;
	[sflag:s0] =	ssyncset.done @!p0 $0x0  }
0x1e0: {  	[sflag:s0] =	ssyncadd.s32 @!p0 s1  }
0x1e1: {  	[bflag:$0x3] =	sbarrier.arrive $0xFFFF  }
0x1e2: {  	_ =	shalt  }

</sc_bundles>
